<compile_context>
chip_gen: v7x
topology: tpu7x:2x2x1
jax: 0.10.2.dev20260603
libtpu: 0.0.44.dev20260713+nightly
codegen_flags: <defaults>
</compile_context>

<pallas_src>
import functools

import jax
import jax.numpy as jnp
from jax import lax
from jax.experimental import pallas as pl
from jax.experimental.pallas import tpu as pltpu
from jax.experimental.pallas import tpu_sc as plsc

S_EMB = 128
D = 512
AA_H = 152
AA_L = 139
T = AA_H + AA_L
HALF = 2048

_NS = 16
_SPLIT = 146
_HB = HALF // 2
_K0 = -(-_SPLIT // _NS)
_K1 = -(-(T - AA_H) // _NS)
_NHALF = (AA_H - _SPLIT) * 2


def _mlp_planes_body(emb_ref, w1_ref, b1_ref, g_ref, bln_ref, w2_ref, b2_ref,
                     out_ref):
    e = emb_ref[...]
    h = lax.dot_general(e, w1_ref[...], (((1,), (1,)), ((), ())),
                        preferred_element_type=jnp.float32)
    h = h + b1_ref[...]
    mu = jnp.mean(h, axis=-1, keepdims=True)
    var = jnp.mean((h - mu) ** 2, axis=-1, keepdims=True)
    h = (h - mu) / jnp.sqrt(var + 1e-5) * g_ref[...] + bln_ref[...]
    h = jnp.maximum(h, 0.0)
    h = lax.dot_general(h, w2_ref[...], (((1,), (1,)), ((), ())),
                        preferred_element_type=jnp.float32) + b2_ref[...]
    out_ref[...] = jnp.broadcast_to(h[:, None, :], (2, HALF, D))


def _sc_fanout_body(planes_hbm, out_hbm, spmem):
    cid = lax.axis_index("c")
    sid = lax.axis_index("s")

    @pl.when((sid == 0) & (cid == 0))
    def _stage0():
        pltpu.sync_copy(planes_hbm.at[0], spmem.at[pl.ds(0, HALF)])

    @pl.when((sid == 0) & (cid == 1))
    def _stage1():
        pltpu.sync_copy(planes_hbm.at[0, pl.ds(0, _HB)],
                        spmem.at[pl.ds(0, _HB)])
        pltpu.sync_copy(planes_hbm.at[1], spmem.at[pl.ds(_HB, HALF)])

    plsc.subcore_barrier()

    @pl.when(cid == 0)
    def _core0():
        for k in range(_K0):
            t = sid + k * _NS

            @pl.when(t < _SPLIT)
            def _():
                pltpu.sync_copy(spmem.at[pl.ds(0, _HB)],
                                out_hbm.at[t, pl.ds(0, _HB)])
                pltpu.sync_copy(spmem.at[pl.ds(_HB, _HB)],
                                out_hbm.at[t, pl.ds(_HB, _HB)])

    @pl.when(cid == 1)
    def _core1():
        for k in range(_K1):
            t = AA_H + sid + k * _NS

            @pl.when(t < T)
            def _():
                pltpu.sync_copy(spmem.at[pl.ds(_HB, _HB)],
                                out_hbm.at[t, pl.ds(0, _HB)])
                pltpu.sync_copy(spmem.at[pl.ds(2 * _HB, _HB)],
                                out_hbm.at[t, pl.ds(_HB, _HB)])

        @pl.when(sid < _NHALF)
        def _h0_tail():
            t = _SPLIT + sid // 2
            half = (sid % 2) * _HB
            pltpu.sync_copy(spmem.at[pl.ds(0, _HB)],
                            out_hbm.at[t, pl.ds(half, _HB)])


def kernel(side, emb_table, W1, b1, ln_g, ln_b, W2, b2):
    del side
    planes = pl.pallas_call(
        _mlp_planes_body,
        out_shape=jax.ShapeDtypeStruct((2, HALF, D), jnp.float32),
    )(emb_table, W1, b1.reshape(1, D), ln_g.reshape(1, D),
      ln_b.reshape(1, D), W2, b2.reshape(1, D))

    mesh = plsc.VectorSubcoreMesh(core_axis_name="c", subcore_axis_name="s")
    fanout = functools.partial(
        pl.kernel,
        mesh=mesh,
        out_type=jax.ShapeDtypeStruct((T, HALF, D), jnp.float32),
        scratch_types=[pltpu.VMEM_SHARED((_HB + HALF, D), jnp.float32)],
        compiler_params=pltpu.CompilerParams(use_tc_tiling_on_sc=True),
    )(_sc_fanout_body)
    out_tmaj = fanout(planes)
    return jnp.transpose(out_tmaj, (1, 0, 2))

# --- scband reference (transcript-rebuilt; emitter-appended) ---
"""Pipeline reference for scband-side-embedder-86423331930174 (READ-ONLY COPY).

The authoritative reference and input builder live on the scoring server;
editing this copy changes nothing except your own understanding.
"""

import jax, jax.numpy as jnp
import numpy as np

B = 4096
N_SIDE = 2
S_EMB = 128
D_SIDE = 512
AA_H = 152
AA_L = 139


def _layernorm(x, g, b, eps=1e-5):
    mu = jnp.mean(x, axis=-1, keepdims=True)
    var = jnp.mean((x - mu) ** 2, axis=-1, keepdims=True)
    return (x - mu) / jnp.sqrt(var + eps) * g + b


def setup_inputs(seed: int = 0) -> dict:
    key = jax.random.key(seed)
    ks = jax.random.split(key, 8)
    # side must contain an EQUAL number of 0 (heavy chain) and non-0 (light chain)
    # entries, otherwise the concat along dim=1 in the module fails. Alternate 0/1.
    side = (jnp.arange(B) % N_SIDE).astype(jnp.int32)
    emb_table = jax.random.normal(ks[0], (N_SIDE, S_EMB), dtype=jnp.float32) * 0.02
    W1 = jax.random.normal(ks[1], (D_SIDE, S_EMB), dtype=jnp.float32) * (1.0 / np.sqrt(S_EMB))
    b1 = jnp.zeros((D_SIDE,), dtype=jnp.float32)
    ln_g = jnp.ones((D_SIDE,), dtype=jnp.float32)
    ln_b = jnp.zeros((D_SIDE,), dtype=jnp.float32)
    W2 = jax.random.normal(ks[2], (D_SIDE, D_SIDE), dtype=jnp.float32) * (1.0 / np.sqrt(D_SIDE))
    b2 = jnp.zeros((D_SIDE,), dtype=jnp.float32)
    return {"side": side, "emb_table": emb_table, "W1": W1, "b1": b1,
            "ln_g": ln_g, "ln_b": ln_b, "W2": W2, "b2": b2}


def reference(side, emb_table, W1, b1, ln_g, ln_b, W2, b2):
    # nn.Embedding on side.view(-1, 1) -> [B, 1, S_EMB]
    e = emb_table[side.reshape(-1, 1)]
    # side_mlp: Linear -> LayerNorm -> ReLU -> Linear
    h = e @ W1.T + b1
    h = _layernorm(h, ln_g, ln_b)
    h = jax.nn.relu(h)
    h = h @ W2.T + b2  # [B, 1, D_SIDE]
    # split by chain type and broadcast along per-chain sequence length
    order = jnp.argsort(side != 0, stable=True)
    h_sorted = h[order]
    half = side.shape[0] // 2
    h_emb = h_sorted[:half]         # [B/2, 1, D]
    h_emb = jnp.tile(h_emb, (1, AA_H, 1))  # torch .repeat(1, AA_H, 1)
    l_emb = h_sorted[half:]         # [B/2, 1, D]
    l_emb = jnp.tile(l_emb, (1, AA_L, 1))
    return jnp.concatenate((h_emb, l_emb), axis=1)  # [B/2, AA_H+AA_L, D]

if __name__ == "__main__":
    import jax
    _d = setup_inputs()
    print(jax.jit(kernel)(*tuple(_d.values())))

</pallas_src>

<mosaic_0001>
#map = affine_map<(d0, d1) -> (0, 0, 0)>
module attributes {stable_mosaic.version = 14 : i64} {
  func.func @_sc_fanout_body(%arg0: i32, %arg1: i32, %arg2: memref<2x2048x512xf32, #tpu.memory_space<hbm>>, %arg3: memref<291x2048x512xf32, #tpu.memory_space<hbm>>, %arg4: memref<3072x512xf32, #tpu.memory_space<vmem_shared>>) attributes {dimension_semantics = [#tpu.dimension_semantics<core_parallel>, #tpu.dimension_semantics<subcore_parallel>], iteration_bounds = array<i64: 2, 16>, scalar_prefetch = 0 : i64, scratch_operands = 1 : i64, tpu.core_type = #tpu.core_type<sc_vector_subcore>, window_params = [{transform_indices = #map}, {transform_indices = #map}]} {
    %eq3A = arith.constant 0 : i32
    %eq3A_0 = arith.cmpi eq, %arg1, %eq3A : i32
    %eq3A_1 = arith.constant 0 : i32
    %eq3A_2 = arith.cmpi eq, %arg0, %eq3A_1 : i32
    %and3A = arith.andi %eq3A_0, %eq3A_2 : i1
    %convert_element_type3A = arith.extui %and3A : i1 to i32
    %cond3A = arith.constant 0 : i32
    %cond3A_3 = arith.cmpi ne, %convert_element_type3A, %cond3A : i32
    scf.if %cond3A_3 {
      %run_scoped3A = arith.constant 0 : i32
      "tpu.region"() ({
        %run_scoped3A_22 = tpu.sem_alloc : memref<!tpu.dma_semaphore, #tpu.memory_space<semaphore_mem>>
        %dma_start3A = arith.constant 0 : i32
        %dma_start3A_23 = arith.constant 0 : i32
        %dma_start3A_24 = tpu.memref_slice %arg4[%dma_start3A, %dma_start3A_23] : memref<3072x512xf32, #tpu.memory_space<vmem_shared>> -> memref<2048x512xf32, #tpu.memory_space<vmem_shared>>
        %dma_start3A_25 = arith.constant 0 : i32
        %dma_start3A_26 = arith.constant 0 : i32
        %dma_start3A_27 = tpu.memref_slice %arg2[%run_scoped3A, %dma_start3A_25, %dma_start3A_26] : memref<2x2048x512xf32, #tpu.memory_space<hbm>> -> memref<1x2048x512xf32, #tpu.memory_space<hbm>>
        %dma_start3A_28 = tpu.memref_squeeze %dma_start3A_27 : memref<1x2048x512xf32, #tpu.memory_space<hbm>> -> memref<2048x512xf32, #tpu.memory_space<hbm>>
        tpu.enqueue_dma source(%dma_start3A_28 : memref<2048x512xf32, #tpu.memory_space<hbm>>) target(%dma_start3A_24 : memref<2048x512xf32, #tpu.memory_space<vmem_shared>>) target_semaphore(%run_scoped3A_22 : memref<!tpu.dma_semaphore, #tpu.memory_space<semaphore_mem>>)
        %dma_wait3A = arith.constant 0 : i32
        %dma_wait3A_29 = arith.constant 0 : i32
        %dma_wait3A_30 = tpu.memref_slice %arg4[%dma_wait3A, %dma_wait3A_29] : memref<3072x512xf32, #tpu.memory_space<vmem_shared>> -> memref<2048x512xf32, #tpu.memory_space<vmem_shared>>
        %dma_wait3A_31 = arith.constant 0 : i32
        %dma_wait3A_32 = arith.constant 0 : i32
        %dma_wait3A_33 = tpu.memref_slice %arg2[%run_scoped3A, %dma_wait3A_31, %dma_wait3A_32] : memref<2x2048x512xf32, #tpu.memory_space<hbm>> -> memref<1x2048x512xf32, #tpu.memory_space<hbm>>
        %dma_wait3A_34 = tpu.memref_squeeze %dma_wait3A_33 : memref<1x2048x512xf32, #tpu.memory_space<hbm>> -> memref<2048x512xf32, #tpu.memory_space<hbm>>
        tpu.wait_dma2 semaphore(%run_scoped3A_22 : memref<!tpu.dma_semaphore, #tpu.memory_space<semaphore_mem>>) src(%dma_wait3A_34 : memref<2048x512xf32, #tpu.memory_space<hbm>>) dst(%dma_wait3A_30 : memref<2048x512xf32, #tpu.memory_space<vmem_shared>>)
        tpu.yield
      }) : () -> ()
    } else {
    }
    %eq3A_4 = arith.constant 0 : i32
    %eq3A_5 = arith.cmpi eq, %arg1, %eq3A_4 : i32
    %eq3A_6 = arith.constant 1 : i32
    %eq3A_7 = arith.cmpi eq, %arg0, %eq3A_6 : i32
    %and3A_8 = arith.andi %eq3A_5, %eq3A_7 : i1
    %convert_element_type3A_9 = arith.extui %and3A_8 : i1 to i32
    %cond3A_10 = arith.constant 0 : i32
    %cond3A_11 = arith.cmpi ne, %convert_element_type3A_9, %cond3A_10 : i32
    scf.if %cond3A_11 {
      %run_scoped3A = arith.constant 0 : i32
      "tpu.region"() ({
        %run_scoped3A_23 = tpu.sem_alloc : memref<!tpu.dma_semaphore, #tpu.memory_space<semaphore_mem>>
        %dma_start3A = arith.constant 0 : i32
        %dma_start3A_24 = arith.constant 0 : i32
        %dma_start3A_25 = tpu.memref_slice %arg4[%dma_start3A, %dma_start3A_24] : memref<3072x512xf32, #tpu.memory_space<vmem_shared>> -> memref<1024x512xf32, #tpu.memory_space<vmem_shared>>
        %dma_start3A_26 = arith.constant 0 : i32
        %dma_start3A_27 = arith.constant 0 : i32
        %dma_start3A_28 = tpu.memref_slice %arg2[%run_scoped3A, %dma_start3A_26, %dma_start3A_27] : memref<2x2048x512xf32, #tpu.memory_space<hbm>> -> memref<1x1024x512xf32, #tpu.memory_space<hbm>>
        %dma_start3A_29 = tpu.memref_squeeze %dma_start3A_28 : memref<1x1024x512xf32, #tpu.memory_space<hbm>> -> memref<1024x512xf32, #tpu.memory_space<hbm>>
        tpu.enqueue_dma source(%dma_start3A_29 : memref<1024x512xf32, #tpu.memory_space<hbm>>) target(%dma_start3A_25 : memref<1024x512xf32, #tpu.memory_space<vmem_shared>>) target_semaphore(%run_scoped3A_23 : memref<!tpu.dma_semaphore, #tpu.memory_space<semaphore_mem>>)
        %dma_wait3A = arith.constant 0 : i32
        %dma_wait3A_30 = arith.constant 0 : i32
        %dma_wait3A_31 = tpu.memref_slice %arg4[%dma_wait3A, %dma_wait3A_30] : memref<3072x512xf32, #tpu.memory_space<vmem_shared>> -> memref<1024x512xf32, #tpu.memory_space<vmem_shared>>
        %dma_wait3A_32 = arith.constant 0 : i32
        %dma_wait3A_33 = arith.constant 0 : i32
        %dma_wait3A_34 = tpu.memref_slice %arg2[%run_scoped3A, %dma_wait3A_32, %dma_wait3A_33] : memref<2x2048x512xf32, #tpu.memory_space<hbm>> -> memref<1x1024x512xf32, #tpu.memory_space<hbm>>
        %dma_wait3A_35 = tpu.memref_squeeze %dma_wait3A_34 : memref<1x1024x512xf32, #tpu.memory_space<hbm>> -> memref<1024x512xf32, #tpu.memory_space<hbm>>
        tpu.wait_dma2 semaphore(%run_scoped3A_23 : memref<!tpu.dma_semaphore, #tpu.memory_space<semaphore_mem>>) src(%dma_wait3A_35 : memref<1024x512xf32, #tpu.memory_space<hbm>>) dst(%dma_wait3A_31 : memref<1024x512xf32, #tpu.memory_space<vmem_shared>>)
        tpu.yield
      }) : () -> ()
      %run_scoped3A_22 = arith.constant 1 : i32
      "tpu.region"() ({
        %run_scoped3A_23 = tpu.sem_alloc : memref<!tpu.dma_semaphore, #tpu.memory_space<semaphore_mem>>
        %dma_start3A = arith.constant 1024 : i32
        %dma_start3A_24 = arith.constant 0 : i32
        %dma_start3A_25 = tpu.memref_slice %arg4[%dma_start3A, %dma_start3A_24] : memref<3072x512xf32, #tpu.memory_space<vmem_shared>> -> memref<2048x512xf32, #tpu.memory_space<vmem_shared>>
        %dma_start3A_26 = arith.constant 0 : i32
        %dma_start3A_27 = arith.constant 0 : i32
        %dma_start3A_28 = tpu.memref_slice %arg2[%run_scoped3A_22, %dma_start3A_26, %dma_start3A_27] : memref<2x2048x512xf32, #tpu.memory_space<hbm>> -> memref<1x2048x512xf32, #tpu.memory_space<hbm>>
        %dma_start3A_29 = tpu.memref_squeeze %dma_start3A_28 : memref<1x2048x512xf32, #tpu.memory_space<hbm>> -> memref<2048x512xf32, #tpu.memory_space<hbm>>
        tpu.enqueue_dma source(%dma_start3A_29 : memref<2048x512xf32, #tpu.memory_space<hbm>>) target(%dma_start3A_25 : memref<2048x512xf32, #tpu.memory_space<vmem_shared>>) target_semaphore(%run_scoped3A_23 : memref<!tpu.dma_semaphore, #tpu.memory_space<semaphore_mem>>)
        %dma_wait3A = arith.constant 1024 : i32
        %dma_wait3A_30 = arith.constant 0 : i32
        %dma_wait3A_31 = tpu.memref_slice %arg4[%dma_wait3A, %dma_wait3A_30] : memref<3072x512xf32, #tpu.memory_space<vmem_shared>> -> memref<2048x512xf32, #tpu.memory_space<vmem_shared>>
        %dma_wait3A_32 = arith.constant 0 : i32
        %dma_wait3A_33 = arith.constant 0 : i32
        %dma_wait3A_34 = tpu.memref_slice %arg2[%run_scoped3A_22, %dma_wait3A_32, %dma_wait3A_33] : memref<2x2048x512xf32, #tpu.memory_space<hbm>> -> memref<1x2048x512xf32, #tpu.memory_space<hbm>>
        %dma_wait3A_35 = tpu.memref_squeeze %dma_wait3A_34 : memref<1x2048x512xf32, #tpu.memory_space<hbm>> -> memref<2048x512xf32, #tpu.memory_space<hbm>>
        tpu.wait_dma2 semaphore(%run_scoped3A_23 : memref<!tpu.dma_semaphore, #tpu.memory_space<semaphore_mem>>) src(%dma_wait3A_35 : memref<2048x512xf32, #tpu.memory_space<hbm>>) dst(%dma_wait3A_31 : memref<2048x512xf32, #tpu.memory_space<vmem_shared>>)
        tpu.yield
      }) : () -> ()
    } else {
    }
    %barrier3A = arith.constant 0 : index
    tpu.barrier barrier_id(%barrier3A)
    %eq3A_12 = arith.constant 0 : i32
    %eq3A_13 = arith.cmpi eq, %arg0, %eq3A_12 : i32
    %convert_element_type3A_14 = arith.extui %eq3A_13 : i1 to i32
    %cond3A_15 = arith.constant 0 : i32
    %cond3A_16 = arith.cmpi ne, %convert_element_type3A_14, %cond3A_15 : i32
    scf.if %cond3A_16 {
      %add3A = arith.constant 0 : i32
      %add3A_22 = arith.addi %arg1, %add3A : i32
      %lt3A = arith.constant 146 : i32
      %lt3A_23 = arith.cmpi slt, %add3A_22, %lt3A : i32
      %convert_element_type3A_24 = arith.extui %lt3A_23 : i1 to i32
      %cond3A_25 = arith.constant 0 : i32
      %cond3A_26 = arith.cmpi ne, %convert_element_type3A_24, %cond3A_25 : i32
      scf.if %cond3A_26 {
        "tpu.region"() ({
          %run_scoped3A = tpu.sem_alloc : memref<!tpu.dma_semaphore, #tpu.memory_space<semaphore_mem>>
          %dma_start3A = arith.constant 0 : i32
          %dma_start3A_90 = arith.constant 0 : i32
          %dma_start3A_91 = tpu.memref_slice %arg3[%add3A_22, %dma_start3A, %dma_start3A_90] : memref<291x2048x512xf32, #tpu.memory_space<hbm>> -> memref<1x1024x512xf32, #tpu.memory_space<hbm>>
          %dma_start3A_92 = tpu.memref_squeeze %dma_start3A_91 : memref<1x1024x512xf32, #tpu.memory_space<hbm>> -> memref<1024x512xf32, #tpu.memory_space<hbm>>
          %dma_start3A_93 = arith.constant 0 : i32
          %dma_start3A_94 = arith.constant 0 : i32
          %dma_start3A_95 = tpu.memref_slice %arg4[%dma_start3A_93, %dma_start3A_94] : memref<3072x512xf32, #tpu.memory_space<vmem_shared>> -> memref<1024x512xf32, #tpu.memory_space<vmem_shared>>
          tpu.enqueue_dma source(%dma_start3A_95 : memref<1024x512xf32, #tpu.memory_space<vmem_shared>>) target(%dma_start3A_92 : memref<1024x512xf32, #tpu.memory_space<hbm>>) target_semaphore(%run_scoped3A : memref<!tpu.dma_semaphore, #tpu.memory_space<semaphore_mem>>)
          %dma_wait3A = arith.constant 0 : i32
          %dma_wait3A_96 = arith.constant 0 : i32
          %dma_wait3A_97 = tpu.memref_slice %arg3[%add3A_22, %dma_wait3A, %dma_wait3A_96] : memref<291x2048x512xf32, #tpu.memory_space<hbm>> -> memref<1x1024x512xf32, #tpu.memory_space<hbm>>
          %dma_wait3A_98 = tpu.memref_squeeze %dma_wait3A_97 : memref<1x1024x512xf32, #tpu.memory_space<hbm>> -> memref<1024x512xf32, #tpu.memory_space<hbm>>
          %dma_wait3A_99 = arith.constant 0 : i32
          %dma_wait3A_100 = arith.constant 0 : i32
          %dma_wait3A_101 = tpu.memref_slice %arg4[%dma_wait3A_99, %dma_wait3A_100] : memref<3072x512xf32, #tpu.memory_space<vmem_shared>> -> memref<1024x512xf32, #tpu.memory_space<vmem_shared>>
          tpu.wait_dma2 semaphore(%run_scoped3A : memref<!tpu.dma_semaphore, #tpu.memory_space<semaphore_mem>>) src(%dma_wait3A_101 : memref<1024x512xf32, #tpu.memory_space<vmem_shared>>) dst(%dma_wait3A_98 : memref<1024x512xf32, #tpu.memory_space<hbm>>)
          tpu.yield
        }) : () -> ()
        "tpu.region"() ({
          %run_scoped3A = tpu.sem_alloc : memref<!tpu.dma_semaphore, #tpu.memory_space<semaphore_mem>>
          %dma_start3A = arith.constant 1024 : i32
          %dma_start3A_90 = arith.constant 0 : i32
          %dma_start3A_91 = tpu.memref_slice %arg3[%add3A_22, %dma_start3A, %dma_start3A_90] : memref<291x2048x512xf32, #tpu.memory_space<hbm>> -> memref<1x1024x512xf32, #tpu.memory_space<hbm>>
          %dma_start3A_92 = tpu.memref_squeeze %dma_start3A_91 : memref<1x1024x512xf32, #tpu.memory_space<hbm>> -> memref<1024x512xf32, #tpu.memory_space<hbm>>
          %dma_start3A_93 = arith.constant 1024 : i32
          %dma_start3A_94 = arith.constant 0 : i32
          %dma_start3A_95 = tpu.memref_slice %arg4[%dma_start3A_93, %dma_start3A_94] : memref<3072x512xf32, #tpu.memory_space<vmem_shared>> -> memref<1024x512xf32, #tpu.memory_space<vmem_shared>>
          tpu.enqueue_dma source(%dma_start3A_95 : memref<1024x512xf32, #tpu.memory_space<vmem_shared>>) target(%dma_start3A_92 : memref<1024x512xf32, #tpu.memory_space<hbm>>) target_semaphore(%run_scoped3A : memref<!tpu.dma_semaphore, #tpu.memory_space<semaphore_mem>>)
          %dma_wait3A = arith.constant 1024 : i32
          %dma_wait3A_96 = arith.constant 0 : i32
          %dma_wait3A_97 = tpu.memref_slice %arg3[%add3A_22, %dma_wait3A, %dma_wait3A_96] : memref<291x2048x512xf32, #tpu.memory_space<hbm>> -> memref<1x1024x512xf32, #tpu.memory_space<hbm>>
          %dma_wait3A_98 = tpu.memref_squeeze %dma_wait3A_97 : memref<1x1024x512xf32, #tpu.memory_space<hbm>> -> memref<1024x512xf32, #tpu.memory_space<hbm>>
          %dma_wait3A_99 = arith.constant 1024 : i32
          %dma_wait3A_100 = arith.constant 0 : i32
          %dma_wait3A_101 = tpu.memref_slice %arg4[%dma_wait3A_99, %dma_wait3A_100] : memref<3072x512xf32, #tpu.memory_space<vmem_shared>> -> memref<1024x512xf32, #tpu.memory_space<vmem_shared>>
          tpu.wait_dma2 semaphore(%run_scoped3A : memref<!tpu.dma_semaphore, #tpu.memory_space<semaphore_mem>>) src(%dma_wait3A_101 : memref<1024x512xf32, #tpu.memory_space<vmem_shared>>) dst(%dma_wait3A_98 : memref<1024x512xf32, #tpu.memory_space<hbm>>)
          tpu.yield
        }) : () -> ()
      } else {
      }
      %add3A_27 = arith.constant 16 : i32
      %add3A_28 = arith.addi %arg1, %add3A_27 : i32
      %lt3A_29 = arith.constant 146 : i32
      %lt3A_30 = arith.cmpi slt, %add3A_28, %lt3A_29 : i32
      %convert_element_type3A_31 = arith.extui %lt3A_30 : i1 to i32
      %cond3A_32 = arith.constant 0 : i32
      %cond3A_33 = arith.cmpi ne, %convert_element_type3A_31, %cond3A_32 : i32
      scf.if %cond3A_33 {
        "tpu.region"() ({
          %run_scoped3A = tpu.sem_alloc : memref<!tpu.dma_semaphore, #tpu.memory_space<semaphore_mem>>
          %dma_start3A = arith.constant 0 : i32
          %dma_start3A_90 = arith.constant 0 : i32
          %dma_start3A_91 = tpu.memref_slice %arg3[%add3A_28, %dma_start3A, %dma_start3A_90] : memref<291x2048x512xf32, #tpu.memory_space<hbm>> -> memref<1x1024x512xf32, #tpu.memory_space<hbm>>
          %dma_start3A_92 = tpu.memref_squeeze %dma_start3A_91 : memref<1x1024x512xf32, #tpu.memory_space<hbm>> -> memref<1024x512xf32, #tpu.memory_space<hbm>>
          %dma_start3A_93 = arith.constant 0 : i32
          %dma_start3A_94 = arith.constant 0 : i32
          %dma_start3A_95 = tpu.memref_slice %arg4[%dma_start3A_93, %dma_start3A_94] : memref<3072x512xf32, #tpu.memory_space<vmem_shared>> -> memref<1024x512xf32, #tpu.memory_space<vmem_shared>>
          tpu.enqueue_dma source(%dma_start3A_95 : memref<1024x512xf32, #tpu.memory_space<vmem_shared>>) target(%dma_start3A_92 : memref<1024x512xf32, #tpu.memory_space<hbm>>) target_semaphore(%run_scoped3A : memref<!tpu.dma_semaphore, #tpu.memory_space<semaphore_mem>>)
          %dma_wait3A = arith.constant 0 : i32
          %dma_wait3A_96 = arith.constant 0 : i32
          %dma_wait3A_97 = tpu.memref_slice %arg3[%add3A_28, %dma_wait3A, %dma_wait3A_96] : memref<291x2048x512xf32, #tpu.memory_space<hbm>> -> memref<1x1024x512xf32, #tpu.memory_space<hbm>>
          %dma_wait3A_98 = tpu.memref_squeeze %dma_wait3A_97 : memref<1x1024x512xf32, #tpu.memory_space<hbm>> -> memref<1024x512xf32, #tpu.memory_space<hbm>>
          %dma_wait3A_99 = arith.constant 0 : i32
          %dma_wait3A_100 = arith.constant 0 : i32
          %dma_wait3A_101 = tpu.memref_slice %arg4[%dma_wait3A_99, %dma_wait3A_100] : memref<3072x512xf32, #tpu.memory_space<vmem_shared>> -> memref<1024x512xf32, #tpu.memory_space<vmem_shared>>
          tpu.wait_dma2 semaphore(%run_scoped3A : memref<!tpu.dma_semaphore, #tpu.memory_space<semaphore_mem>>) src(%dma_wait3A_101 : memref<1024x512xf32, #tpu.memory_space<vmem_shared>>) dst(%dma_wait3A_98 : memref<1024x512xf32, #tpu.memory_space<hbm>>)
          tpu.yield
        }) : () -> ()
        "tpu.region"() ({
          %run_scoped3A = tpu.sem_alloc : memref<!tpu.dma_semaphore, #tpu.memory_space<semaphore_mem>>
          %dma_start3A = arith.constant 1024 : i32
          %dma_start3A_90 = arith.constant 0 : i32
          %dma_start3A_91 = tpu.memref_slice %arg3[%add3A_28, %dma_start3A, %dma_start3A_90] : memref<291x2048x512xf32, #tpu.memory_space<hbm>> -> memref<1x1024x512xf32, #tpu.memory_space<hbm>>
          %dma_start3A_92 = tpu.memref_squeeze %dma_start3A_91 : memref<1x1024x512xf32, #tpu.memory_space<hbm>> -> memref<1024x512xf32, #tpu.memory_space<hbm>>
          %dma_start3A_93 = arith.constant 1024 : i32
          %dma_start3A_94 = arith.constant 0 : i32
          %dma_start3A_95 = tpu.memref_slice %arg4[%dma_start3A_93, %dma_start3A_94] : memref<3072x512xf32, #tpu.memory_space<vmem_shared>> -> memref<1024x512xf32, #tpu.memory_space<vmem_shared>>
          tpu.enqueue_dma source(%dma_start3A_95 : memref<1024x512xf32, #tpu.memory_space<vmem_shared>>) target(%dma_start3A_92 : memref<1024x512xf32, #tpu.memory_space<hbm>>) target_semaphore(%run_scoped3A : memref<!tpu.dma_semaphore, #tpu.memory_space<semaphore_mem>>)
          %dma_wait3A = arith.constant 1024 : i32
          %dma_wait3A_96 = arith.constant 0 : i32
          %dma_wait3A_97 = tpu.memref_slice %arg3[%add3A_28, %dma_wait3A, %dma_wait3A_96] : memref<291x2048x512xf32, #tpu.memory_space<hbm>> -> memref<1x1024x512xf32, #tpu.memory_space<hbm>>
          %dma_wait3A_98 = tpu.memref_squeeze %dma_wait3A_97 : memref<1x1024x512xf32, #tpu.memory_space<hbm>> -> memref<1024x512xf32, #tpu.memory_space<hbm>>
          %dma_wait3A_99 = arith.constant 1024 : i32
          %dma_wait3A_100 = arith.constant 0 : i32
          %dma_wait3A_101 = tpu.memref_slice %arg4[%dma_wait3A_99, %dma_wait3A_100] : memref<3072x512xf32, #tpu.memory_space<vmem_shared>> -> memref<1024x512xf32, #tpu.memory_space<vmem_shared>>
          tpu.wait_dma2 semaphore(%run_scoped3A : memref<!tpu.dma_semaphore, #tpu.memory_space<semaphore_mem>>) src(%dma_wait3A_101 : memref<1024x512xf32, #tpu.memory_space<vmem_shared>>) dst(%dma_wait3A_98 : memref<1024x512xf32, #tpu.memory_space<hbm>>)
          tpu.yield
        }) : () -> ()
      } else {
      }
      %add3A_34 = arith.constant 32 : i32
      %add3A_35 = arith.addi %arg1, %add3A_34 : i32
      %lt3A_36 = arith.constant 146 : i32
      %lt3A_37 = arith.cmpi slt, %add3A_35, %lt3A_36 : i32
      %convert_element_type3A_38 = arith.extui %lt3A_37 : i1 to i32
      %cond3A_39 = arith.constant 0 : i32
      %cond3A_40 = arith.cmpi ne, %convert_element_type3A_38, %cond3A_39 : i32
      scf.if %cond3A_40 {
        "tpu.region"() ({
          %run_scoped3A = tpu.sem_alloc : memref<!tpu.dma_semaphore, #tpu.memory_space<semaphore_mem>>
          %dma_start3A = arith.constant 0 : i32
          %dma_start3A_90 = arith.constant 0 : i32
          %dma_start3A_91 = tpu.memref_slice %arg3[%add3A_35, %dma_start3A, %dma_start3A_90] : memref<291x2048x512xf32, #tpu.memory_space<hbm>> -> memref<1x1024x512xf32, #tpu.memory_space<hbm>>
          %dma_start3A_92 = tpu.memref_squeeze %dma_start3A_91 : memref<1x1024x512xf32, #tpu.memory_space<hbm>> -> memref<1024x512xf32, #tpu.memory_space<hbm>>
          %dma_start3A_93 = arith.constant 0 : i32
          %dma_start3A_94 = arith.constant 0 : i32
          %dma_start3A_95 = tpu.memref_slice %arg4[%dma_start3A_93, %dma_start3A_94] : memref<3072x512xf32, #tpu.memory_space<vmem_shared>> -> memref<1024x512xf32, #tpu.memory_space<vmem_shared>>
          tpu.enqueue_dma source(%dma_start3A_95 : memref<1024x512xf32, #tpu.memory_space<vmem_shared>>) target(%dma_start3A_92 : memref<1024x512xf32, #tpu.memory_space<hbm>>) target_semaphore(%run_scoped3A : memref<!tpu.dma_semaphore, #tpu.memory_space<semaphore_mem>>)
          %dma_wait3A = arith.constant 0 : i32
          %dma_wait3A_96 = arith.constant 0 : i32
          %dma_wait3A_97 = tpu.memref_slice %arg3[%add3A_35, %dma_wait3A, %dma_wait3A_96] : memref<291x2048x512xf32, #tpu.memory_space<hbm>> -> memref<1x1024x512xf32, #tpu.memory_space<hbm>>
          %dma_wait3A_98 = tpu.memref_squeeze %dma_wait3A_97 : memref<1x1024x512xf32, #tpu.memory_space<hbm>> -> memref<1024x512xf32, #tpu.memory_space<hbm>>
          %dma_wait3A_99 = arith.constant 0 : i32
          %dma_wait3A_100 = arith.constant 0 : i32
          %dma_wait3A_101 = tpu.memref_slice %arg4[%dma_wait3A_99, %dma_wait3A_100] : memref<3072x512xf32, #tpu.memory_space<vmem_shared>> -> memref<1024x512xf32, #tpu.memory_space<vmem_shared>>
          tpu.wait_dma2 semaphore(%run_scoped3A : memref<!tpu.dma_semaphore, #tpu.memory_space<semaphore_mem>>) src(%dma_wait3A_101 : memref<1024x512xf32, #tpu.memory_space<vmem_shared>>) dst(%dma_wait3A_98 : memref<1024x512xf32, #tpu.memory_space<hbm>>)
          tpu.yield
        }) : () -> ()
        "tpu.region"() ({
          %run_scoped3A = tpu.sem_alloc : memref<!tpu.dma_semaphore, #tpu.memory_space<semaphore_mem>>
          %dma_start3A = arith.constant 1024 : i32
          %dma_start3A_90 = arith.constant 0 : i32
          %dma_start3A_91 = tpu.memref_slice %arg3[%add3A_35, %dma_start3A, %dma_start3A_90] : memref<291x2048x512xf32, #tpu.memory_space<hbm>> -> memref<1x1024x512xf32, #tpu.memory_space<hbm>>
          %dma_start3A_92 = tpu.memref_squeeze %dma_start3A_91 : memref<1x1024x512xf32, #tpu.memory_space<hbm>> -> memref<1024x512xf32, #tpu.memory_space<hbm>>
          %dma_start3A_93 = arith.constant 1024 : i32
          %dma_start3A_94 = arith.constant 0 : i32
          %dma_start3A_95 = tpu.memref_slice %arg4[%dma_start3A_93, %dma_start3A_94] : memref<3072x512xf32, #tpu.memory_space<vmem_shared>> -> memref<1024x512xf32, #tpu.memory_space<vmem_shared>>
          tpu.enqueue_dma source(%dma_start3A_95 : memref<1024x512xf32, #tpu.memory_space<vmem_shared>>) target(%dma_start3A_92 : memref<1024x512xf32, #tpu.memory_space<hbm>>) target_semaphore(%run_scoped3A : memref<!tpu.dma_semaphore, #tpu.memory_space<semaphore_mem>>)
          %dma_wait3A = arith.constant 1024 : i32
          %dma_wait3A_96 = arith.constant 0 : i32
          %dma_wait3A_97 = tpu.memref_slice %arg3[%add3A_35, %dma_wait3A, %dma_wait3A_96] : memref<291x2048x512xf32, #tpu.memory_space<hbm>> -> memref<1x1024x512xf32, #tpu.memory_space<hbm>>
          %dma_wait3A_98 = tpu.memref_squeeze %dma_wait3A_97 : memref<1x1024x512xf32, #tpu.memory_space<hbm>> -> memref<1024x512xf32, #tpu.memory_space<hbm>>
          %dma_wait3A_99 = arith.constant 1024 : i32
          %dma_wait3A_100 = arith.constant 0 : i32
          %dma_wait3A_101 = tpu.memref_slice %arg4[%dma_wait3A_99, %dma_wait3A_100] : memref<3072x512xf32, #tpu.memory_space<vmem_shared>> -> memref<1024x512xf32, #tpu.memory_space<vmem_shared>>
          tpu.wait_dma2 semaphore(%run_scoped3A : memref<!tpu.dma_semaphore, #tpu.memory_space<semaphore_mem>>) src(%dma_wait3A_101 : memref<1024x512xf32, #tpu.memory_space<vmem_shared>>) dst(%dma_wait3A_98 : memref<1024x512xf32, #tpu.memory_space<hbm>>)
          tpu.yield
        }) : () -> ()
      } else {
      }
      %add3A_41 = arith.constant 48 : i32
      %add3A_42 = arith.addi %arg1, %add3A_41 : i32
      %lt3A_43 = arith.constant 146 : i32
      %lt3A_44 = arith.cmpi slt, %add3A_42, %lt3A_43 : i32
      %convert_element_type3A_45 = arith.extui %lt3A_44 : i1 to i32
      %cond3A_46 = arith.constant 0 : i32
      %cond3A_47 = arith.cmpi ne, %convert_element_type3A_45, %cond3A_46 : i32
      scf.if %cond3A_47 {
        "tpu.region"() ({
          %run_scoped3A = tpu.sem_alloc : memref<!tpu.dma_semaphore, #tpu.memory_space<semaphore_mem>>
          %dma_start3A = arith.constant 0 : i32
          %dma_start3A_90 = arith.constant 0 : i32
          %dma_start3A_91 = tpu.memref_slice %arg3[%add3A_42, %dma_start3A, %dma_start3A_90] : memref<291x2048x512xf32, #tpu.memory_space<hbm>> -> memref<1x1024x512xf32, #tpu.memory_space<hbm>>
          %dma_start3A_92 = tpu.memref_squeeze %dma_start3A_91 : memref<1x1024x512xf32, #tpu.memory_space<hbm>> -> memref<1024x512xf32, #tpu.memory_space<hbm>>
          %dma_start3A_93 = arith.constant 0 : i32
          %dma_start3A_94 = arith.constant 0 : i32
          %dma_start3A_95 = tpu.memref_slice %arg4[%dma_start3A_93, %dma_start3A_94] : memref<3072x512xf32, #tpu.memory_space<vmem_shared>> -> memref<1024x512xf32, #tpu.memory_space<vmem_shared>>
          tpu.enqueue_dma source(%dma_start3A_95 : memref<1024x512xf32, #tpu.memory_space<vmem_shared>>) target(%dma_start3A_92 : memref<1024x512xf32, #tpu.memory_space<hbm>>) target_semaphore(%run_scoped3A : memref<!tpu.dma_semaphore, #tpu.memory_space<semaphore_mem>>)
          %dma_wait3A = arith.constant 0 : i32
          %dma_wait3A_96 = arith.constant 0 : i32
          %dma_wait3A_97 = tpu.memref_slice %arg3[%add3A_42, %dma_wait3A, %dma_wait3A_96] : memref<291x2048x512xf32, #tpu.memory_space<hbm>> -> memref<1x1024x512xf32, #tpu.memory_space<hbm>>
          %dma_wait3A_98 = tpu.memref_squeeze %dma_wait3A_97 : memref<1x1024x512xf32, #tpu.memory_space<hbm>> -> memref<1024x512xf32, #tpu.memory_space<hbm>>
          %dma_wait3A_99 = arith.constant 0 : i32
          %dma_wait3A_100 = arith.constant 0 : i32
          %dma_wait3A_101 = tpu.memref_slice %arg4[%dma_wait3A_99, %dma_wait3A_100] : memref<3072x512xf32, #tpu.memory_space<vmem_shared>> -> memref<1024x512xf32, #tpu.memory_space<vmem_shared>>
          tpu.wait_dma2 semaphore(%run_scoped3A : memref<!tpu.dma_semaphore, #tpu.memory_space<semaphore_mem>>) src(%dma_wait3A_101 : memref<1024x512xf32, #tpu.memory_space<vmem_shared>>) dst(%dma_wait3A_98 : memref<1024x512xf32, #tpu.memory_space<hbm>>)
          tpu.yield
        }) : () -> ()
        "tpu.region"() ({
          %run_scoped3A = tpu.sem_alloc : memref<!tpu.dma_semaphore, #tpu.memory_space<semaphore_mem>>
          %dma_start3A = arith.constant 1024 : i32
          %dma_start3A_90 = arith.constant 0 : i32
          %dma_start3A_91 = tpu.memref_slice %arg3[%add3A_42, %dma_start3A, %dma_start3A_90] : memref<291x2048x512xf32, #tpu.memory_space<hbm>> -> memref<1x1024x512xf32, #tpu.memory_space<hbm>>
          %dma_start3A_92 = tpu.memref_squeeze %dma_start3A_91 : memref<1x1024x512xf32, #tpu.memory_space<hbm>> -> memref<1024x512xf32, #tpu.memory_space<hbm>>
          %dma_start3A_93 = arith.constant 1024 : i32
          %dma_start3A_94 = arith.constant 0 : i32
          %dma_start3A_95 = tpu.memref_slice %arg4[%dma_start3A_93, %dma_start3A_94] : memref<3072x512xf32, #tpu.memory_space<vmem_shared>> -> memref<1024x512xf32, #tpu.memory_space<vmem_shared>>
          tpu.enqueue_dma source(%dma_start3A_95 : memref<1024x512xf32, #tpu.memory_space<vmem_shared>>) target(%dma_start3A_92 : memref<1024x512xf32, #tpu.memory_space<hbm>>) target_semaphore(%run_scoped3A : memref<!tpu.dma_semaphore, #tpu.memory_space<semaphore_mem>>)
          %dma_wait3A = arith.constant 1024 : i32
          %dma_wait3A_96 = arith.constant 0 : i32
          %dma_wait3A_97 = tpu.memref_slice %arg3[%add3A_42, %dma_wait3A, %dma_wait3A_96] : memref<291x2048x512xf32, #tpu.memory_space<hbm>> -> memref<1x1024x512xf32, #tpu.memory_space<hbm>>
          %dma_wait3A_98 = tpu.memref_squeeze %dma_wait3A_97 : memref<1x1024x512xf32, #tpu.memory_space<hbm>> -> memref<1024x512xf32, #tpu.memory_space<hbm>>
          %dma_wait3A_99 = arith.constant 1024 : i32
          %dma_wait3A_100 = arith.constant 0 : i32
          %dma_wait3A_101 = tpu.memref_slice %arg4[%dma_wait3A_99, %dma_wait3A_100] : memref<3072x512xf32, #tpu.memory_space<vmem_shared>> -> memref<1024x512xf32, #tpu.memory_space<vmem_shared>>
          tpu.wait_dma2 semaphore(%run_scoped3A : memref<!tpu.dma_semaphore, #tpu.memory_space<semaphore_mem>>) src(%dma_wait3A_101 : memref<1024x512xf32, #tpu.memory_space<vmem_shared>>) dst(%dma_wait3A_98 : memref<1024x512xf32, #tpu.memory_space<hbm>>)
          tpu.yield
        }) : () -> ()
      } else {
      }
      %add3A_48 = arith.constant 64 : i32
      %add3A_49 = arith.addi %arg1, %add3A_48 : i32
      %lt3A_50 = arith.constant 146 : i32
      %lt3A_51 = arith.cmpi slt, %add3A_49, %lt3A_50 : i32
      %convert_element_type3A_52 = arith.extui %lt3A_51 : i1 to i32
      %cond3A_53 = arith.constant 0 : i32
      %cond3A_54 = arith.cmpi ne, %convert_element_type3A_52, %cond3A_53 : i32
      scf.if %cond3A_54 {
        "tpu.region"() ({
          %run_scoped3A = tpu.sem_alloc : memref<!tpu.dma_semaphore, #tpu.memory_space<semaphore_mem>>
          %dma_start3A = arith.constant 0 : i32
          %dma_start3A_90 = arith.constant 0 : i32
          %dma_start3A_91 = tpu.memref_slice %arg3[%add3A_49, %dma_start3A, %dma_start3A_90] : memref<291x2048x512xf32, #tpu.memory_space<hbm>> -> memref<1x1024x512xf32, #tpu.memory_space<hbm>>
          %dma_start3A_92 = tpu.memref_squeeze %dma_start3A_91 : memref<1x1024x512xf32, #tpu.memory_space<hbm>> -> memref<1024x512xf32, #tpu.memory_space<hbm>>
          %dma_start3A_93 = arith.constant 0 : i32
          %dma_start3A_94 = arith.constant 0 : i32
          %dma_start3A_95 = tpu.memref_slice %arg4[%dma_start3A_93, %dma_start3A_94] : memref<3072x512xf32, #tpu.memory_space<vmem_shared>> -> memref<1024x512xf32, #tpu.memory_space<vmem_shared>>
          tpu.enqueue_dma source(%dma_start3A_95 : memref<1024x512xf32, #tpu.memory_space<vmem_shared>>) target(%dma_start3A_92 : memref<1024x512xf32, #tpu.memory_space<hbm>>) target_semaphore(%run_scoped3A : memref<!tpu.dma_semaphore, #tpu.memory_space<semaphore_mem>>)
          %dma_wait3A = arith.constant 0 : i32
          %dma_wait3A_96 = arith.constant 0 : i32
          %dma_wait3A_97 = tpu.memref_slice %arg3[%add3A_49, %dma_wait3A, %dma_wait3A_96] : memref<291x2048x512xf32, #tpu.memory_space<hbm>> -> memref<1x1024x512xf32, #tpu.memory_space<hbm>>
          %dma_wait3A_98 = tpu.memref_squeeze %dma_wait3A_97 : memref<1x1024x512xf32, #tpu.memory_space<hbm>> -> memref<1024x512xf32, #tpu.memory_space<hbm>>
          %dma_wait3A_99 = arith.constant 0 : i32
          %dma_wait3A_100 = arith.constant 0 : i32
          %dma_wait3A_101 = tpu.memref_slice %arg4[%dma_wait3A_99, %dma_wait3A_100] : memref<3072x512xf32, #tpu.memory_space<vmem_shared>> -> memref<1024x512xf32, #tpu.memory_space<vmem_shared>>
          tpu.wait_dma2 semaphore(%run_scoped3A : memref<!tpu.dma_semaphore, #tpu.memory_space<semaphore_mem>>) src(%dma_wait3A_101 : memref<1024x512xf32, #tpu.memory_space<vmem_shared>>) dst(%dma_wait3A_98 : memref<1024x512xf32, #tpu.memory_space<hbm>>)
          tpu.yield
        }) : () -> ()
        "tpu.region"() ({
          %run_scoped3A = tpu.sem_alloc : memref<!tpu.dma_semaphore, #tpu.memory_space<semaphore_mem>>
          %dma_start3A = arith.constant 1024 : i32
          %dma_start3A_90 = arith.constant 0 : i32
          %dma_start3A_91 = tpu.memref_slice %arg3[%add3A_49, %dma_start3A, %dma_start3A_90] : memref<291x2048x512xf32, #tpu.memory_space<hbm>> -> memref<1x1024x512xf32, #tpu.memory_space<hbm>>
          %dma_start3A_92 = tpu.memref_squeeze %dma_start3A_91 : memref<1x1024x512xf32, #tpu.memory_space<hbm>> -> memref<1024x512xf32, #tpu.memory_space<hbm>>
          %dma_start3A_93 = arith.constant 1024 : i32
          %dma_start3A_94 = arith.constant 0 : i32
          %dma_start3A_95 = tpu.memref_slice %arg4[%dma_start3A_93, %dma_start3A_94] : memref<3072x512xf32, #tpu.memory_space<vmem_shared>> -> memref<1024x512xf32, #tpu.memory_space<vmem_shared>>
          tpu.enqueue_dma source(%dma_start3A_95 : memref<1024x512xf32, #tpu.memory_space<vmem_shared>>) target(%dma_start3A_92 : memref<1024x512xf32, #tpu.memory_space<hbm>>) target_semaphore(%run_scoped3A : memref<!tpu.dma_semaphore, #tpu.memory_space<semaphore_mem>>)
          %dma_wait3A = arith.constant 1024 : i32
          %dma_wait3A_96 = arith.constant 0 : i32
          %dma_wait3A_97 = tpu.memref_slice %arg3[%add3A_49, %dma_wait3A, %dma_wait3A_96] : memref<291x2048x512xf32, #tpu.memory_space<hbm>> -> memref<1x1024x512xf32, #tpu.memory_space<hbm>>
          %dma_wait3A_98 = tpu.memref_squeeze %dma_wait3A_97 : memref<1x1024x512xf32, #tpu.memory_space<hbm>> -> memref<1024x512xf32, #tpu.memory_space<hbm>>
          %dma_wait3A_99 = arith.constant 1024 : i32
          %dma_wait3A_100 = arith.constant 0 : i32
          %dma_wait3A_101 = tpu.memref_slice %arg4[%dma_wait3A_99, %dma_wait3A_100] : memref<3072x512xf32, #tpu.memory_space<vmem_shared>> -> memref<1024x512xf32, #tpu.memory_space<vmem_shared>>
          tpu.wait_dma2 semaphore(%run_scoped3A : memref<!tpu.dma_semaphore, #tpu.memory_space<semaphore_mem>>) src(%dma_wait3A_101 : memref<1024x512xf32, #tpu.memory_space<vmem_shared>>) dst(%dma_wait3A_98 : memref<1024x512xf32, #tpu.memory_space<hbm>>)
          tpu.yield
        }) : () -> ()
      } else {
      }
      %add3A_55 = arith.constant 80 : i32
      %add3A_56 = arith.addi %arg1, %add3A_55 : i32
      %lt3A_57 = arith.constant 146 : i32
      %lt3A_58 = arith.cmpi slt, %add3A_56, %lt3A_57 : i32
      %convert_element_type3A_59 = arith.extui %lt3A_58 : i1 to i32
      %cond3A_60 = arith.constant 0 : i32
      %cond3A_61 = arith.cmpi ne, %convert_element_type3A_59, %cond3A_60 : i32
      scf.if %cond3A_61 {
        "tpu.region"() ({
          %run_scoped3A = tpu.sem_alloc : memref<!tpu.dma_semaphore, #tpu.memory_space<semaphore_mem>>
          %dma_start3A = arith.constant 0 : i32
          %dma_start3A_90 = arith.constant 0 : i32
          %dma_start3A_91 = tpu.memref_slice %arg3[%add3A_56, %dma_start3A, %dma_start3A_90] : memref<291x2048x512xf32, #tpu.memory_space<hbm>> -> memref<1x1024x512xf32, #tpu.memory_space<hbm>>
          %dma_start3A_92 = tpu.memref_squeeze %dma_start3A_91 : memref<1x1024x512xf32, #tpu.memory_space<hbm>> -> memref<1024x512xf32, #tpu.memory_space<hbm>>
          %dma_start3A_93 = arith.constant 0 : i32
          %dma_start3A_94 = arith.constant 0 : i32
          %dma_start3A_95 = tpu.memref_slice %arg4[%dma_start3A_93, %dma_start3A_94] : memref<3072x512xf32, #tpu.memory_space<vmem_shared>> -> memref<1024x512xf32, #tpu.memory_space<vmem_shared>>
          tpu.enqueue_dma source(%dma_start3A_95 : memref<1024x512xf32, #tpu.memory_space<vmem_shared>>) target(%dma_start3A_92 : memref<1024x512xf32, #tpu.memory_space<hbm>>) target_semaphore(%run_scoped3A : memref<!tpu.dma_semaphore, #tpu.memory_space<semaphore_mem>>)
          %dma_wait3A = arith.constant 0 : i32
          %dma_wait3A_96 = arith.constant 0 : i32
          %dma_wait3A_97 = tpu.memref_slice %arg3[%add3A_56, %dma_wait3A, %dma_wait3A_96] : memref<291x2048x512xf32, #tpu.memory_space<hbm>> -> memref<1x1024x512xf32, #tpu.memory_space<hbm>>
          %dma_wait3A_98 = tpu.memref_squeeze %dma_wait3A_97 : memref<1x1024x512xf32, #tpu.memory_space<hbm>> -> memref<1024x512xf32, #tpu.memory_space<hbm>>
          %dma_wait3A_99 = arith.constant 0 : i32
          %dma_wait3A_100 = arith.constant 0 : i32
          %dma_wait3A_101 = tpu.memref_slice %arg4[%dma_wait3A_99, %dma_wait3A_100] : memref<3072x512xf32, #tpu.memory_space<vmem_shared>> -> memref<1024x512xf32, #tpu.memory_space<vmem_shared>>
          tpu.wait_dma2 semaphore(%run_scoped3A : memref<!tpu.dma_semaphore, #tpu.memory_space<semaphore_mem>>) src(%dma_wait3A_101 : memref<1024x512xf32, #tpu.memory_space<vmem_shared>>) dst(%dma_wait3A_98 : memref<1024x512xf32, #tpu.memory_space<hbm>>)
          tpu.yield
        }) : () -> ()
        "tpu.region"() ({
          %run_scoped3A = tpu.sem_alloc : memref<!tpu.dma_semaphore, #tpu.memory_space<semaphore_mem>>
          %dma_start3A = arith.constant 1024 : i32
          %dma_start3A_90 = arith.constant 0 : i32
          %dma_start3A_91 = tpu.memref_slice %arg3[%add3A_56, %dma_start3A, %dma_start3A_90] : memref<291x2048x512xf32, #tpu.memory_space<hbm>> -> memref<1x1024x512xf32, #tpu.memory_space<hbm>>
          %dma_start3A_92 = tpu.memref_squeeze %dma_start3A_91 : memref<1x1024x512xf32, #tpu.memory_space<hbm>> -> memref<1024x512xf32, #tpu.memory_space<hbm>>
          %dma_start3A_93 = arith.constant 1024 : i32
          %dma_start3A_94 = arith.constant 0 : i32
          %dma_start3A_95 = tpu.memref_slice %arg4[%dma_start3A_93, %dma_start3A_94] : memref<3072x512xf32, #tpu.memory_space<vmem_shared>> -> memref<1024x512xf32, #tpu.memory_space<vmem_shared>>
          tpu.enqueue_dma source(%dma_start3A_95 : memref<1024x512xf32, #tpu.memory_space<vmem_shared>>) target(%dma_start3A_92 : memref<1024x512xf32, #tpu.memory_space<hbm>>) target_semaphore(%run_scoped3A : memref<!tpu.dma_semaphore, #tpu.memory_space<semaphore_mem>>)
          %dma_wait3A = arith.constant 1024 : i32
          %dma_wait3A_96 = arith.constant 0 : i32
          %dma_wait3A_97 = tpu.memref_slice %arg3[%add3A_56, %dma_wait3A, %dma_wait3A_96] : memref<291x2048x512xf32, #tpu.memory_space<hbm>> -> memref<1x1024x512xf32, #tpu.memory_space<hbm>>
          %dma_wait3A_98 = tpu.memref_squeeze %dma_wait3A_97 : memref<1x1024x512xf32, #tpu.memory_space<hbm>> -> memref<1024x512xf32, #tpu.memory_space<hbm>>
          %dma_wait3A_99 = arith.constant 1024 : i32
          %dma_wait3A_100 = arith.constant 0 : i32
          %dma_wait3A_101 = tpu.memref_slice %arg4[%dma_wait3A_99, %dma_wait3A_100] : memref<3072x512xf32, #tpu.memory_space<vmem_shared>> -> memref<1024x512xf32, #tpu.memory_space<vmem_shared>>
          tpu.wait_dma2 semaphore(%run_scoped3A : memref<!tpu.dma_semaphore, #tpu.memory_space<semaphore_mem>>) src(%dma_wait3A_101 : memref<1024x512xf32, #tpu.memory_space<vmem_shared>>) dst(%dma_wait3A_98 : memref<1024x512xf32, #tpu.memory_space<hbm>>)
          tpu.yield
        }) : () -> ()
      } else {
      }
      %add3A_62 = arith.constant 96 : i32
      %add3A_63 = arith.addi %arg1, %add3A_62 : i32
      %lt3A_64 = arith.constant 146 : i32
      %lt3A_65 = arith.cmpi slt, %add3A_63, %lt3A_64 : i32
      %convert_element_type3A_66 = arith.extui %lt3A_65 : i1 to i32
      %cond3A_67 = arith.constant 0 : i32
      %cond3A_68 = arith.cmpi ne, %convert_element_type3A_66, %cond3A_67 : i32
      scf.if %cond3A_68 {
        "tpu.region"() ({
          %run_scoped3A = tpu.sem_alloc : memref<!tpu.dma_semaphore, #tpu.memory_space<semaphore_mem>>
          %dma_start3A = arith.constant 0 : i32
          %dma_start3A_90 = arith.constant 0 : i32
          %dma_start3A_91 = tpu.memref_slice %arg3[%add3A_63, %dma_start3A, %dma_start3A_90] : memref<291x2048x512xf32, #tpu.memory_space<hbm>> -> memref<1x1024x512xf32, #tpu.memory_space<hbm>>
          %dma_start3A_92 = tpu.memref_squeeze %dma_start3A_91 : memref<1x1024x512xf32, #tpu.memory_space<hbm>> -> memref<1024x512xf32, #tpu.memory_space<hbm>>
          %dma_start3A_93 = arith.constant 0 : i32
          %dma_start3A_94 = arith.constant 0 : i32
          %dma_start3A_95 = tpu.memref_slice %arg4[%dma_start3A_93, %dma_start3A_94] : memref<3072x512xf32, #tpu.memory_space<vmem_shared>> -> memref<1024x512xf32, #tpu.memory_space<vmem_shared>>
          tpu.enqueue_dma source(%dma_start3A_95 : memref<1024x512xf32, #tpu.memory_space<vmem_shared>>) target(%dma_start3A_92 : memref<1024x512xf32, #tpu.memory_space<hbm>>) target_semaphore(%run_scoped3A : memref<!tpu.dma_semaphore, #tpu.memory_space<semaphore_mem>>)
          %dma_wait3A = arith.constant 0 : i32
          %dma_wait3A_96 = arith.constant 0 : i32
          %dma_wait3A_97 = tpu.memref_slice %arg3[%add3A_63, %dma_wait3A, %dma_wait3A_96] : memref<291x2048x512xf32, #tpu.memory_space<hbm>> -> memref<1x1024x512xf32, #tpu.memory_space<hbm>>
          %dma_wait3A_98 = tpu.memref_squeeze %dma_wait3A_97 : memref<1x1024x512xf32, #tpu.memory_space<hbm>> -> memref<1024x512xf32, #tpu.memory_space<hbm>>
          %dma_wait3A_99 = arith.constant 0 : i32
          %dma_wait3A_100 = arith.constant 0 : i32
          %dma_wait3A_101 = tpu.memref_slice %arg4[%dma_wait3A_99, %dma_wait3A_100] : memref<3072x512xf32, #tpu.memory_space<vmem_shared>> -> memref<1024x512xf32, #tpu.memory_space<vmem_shared>>
          tpu.wait_dma2 semaphore(%run_scoped3A : memref<!tpu.dma_semaphore, #tpu.memory_space<semaphore_mem>>) src(%dma_wait3A_101 : memref<1024x512xf32, #tpu.memory_space<vmem_shared>>) dst(%dma_wait3A_98 : memref<1024x512xf32, #tpu.memory_space<hbm>>)
          tpu.yield
        }) : () -> ()
        "tpu.region"() ({
          %run_scoped3A = tpu.sem_alloc : memref<!tpu.dma_semaphore, #tpu.memory_space<semaphore_mem>>
          %dma_start3A = arith.constant 1024 : i32
          %dma_start3A_90 = arith.constant 0 : i32
          %dma_start3A_91 = tpu.memref_slice %arg3[%add3A_63, %dma_start3A, %dma_start3A_90] : memref<291x2048x512xf32, #tpu.memory_space<hbm>> -> memref<1x1024x512xf32, #tpu.memory_space<hbm>>
          %dma_start3A_92 = tpu.memref_squeeze %dma_start3A_91 : memref<1x1024x512xf32, #tpu.memory_space<hbm>> -> memref<1024x512xf32, #tpu.memory_space<hbm>>
          %dma_start3A_93 = arith.constant 1024 : i32
          %dma_start3A_94 = arith.constant 0 : i32
          %dma_start3A_95 = tpu.memref_slice %arg4[%dma_start3A_93, %dma_start3A_94] : memref<3072x512xf32, #tpu.memory_space<vmem_shared>> -> memref<1024x512xf32, #tpu.memory_space<vmem_shared>>
          tpu.enqueue_dma source(%dma_start3A_95 : memref<1024x512xf32, #tpu.memory_space<vmem_shared>>) target(%dma_start3A_92 : memref<1024x512xf32, #tpu.memory_space<hbm>>) target_semaphore(%run_scoped3A : memref<!tpu.dma_semaphore, #tpu.memory_space<semaphore_mem>>)
          %dma_wait3A = arith.constant 1024 : i32
          %dma_wait3A_96 = arith.constant 0 : i32
          %dma_wait3A_97 = tpu.memref_slice %arg3[%add3A_63, %dma_wait3A, %dma_wait3A_96] : memref<291x2048x512xf32, #tpu.memory_space<hbm>> -> memref<1x1024x512xf32, #tpu.memory_space<hbm>>
          %dma_wait3A_98 = tpu.memref_squeeze %dma_wait3A_97 : memref<1x1024x512xf32, #tpu.memory_space<hbm>> -> memref<1024x512xf32, #tpu.memory_space<hbm>>
          %dma_wait3A_99 = arith.constant 1024 : i32
          %dma_wait3A_100 = arith.constant 0 : i32
          %dma_wait3A_101 = tpu.memref_slice %arg4[%dma_wait3A_99, %dma_wait3A_100] : memref<3072x512xf32, #tpu.memory_space<vmem_shared>> -> memref<1024x512xf32, #tpu.memory_space<vmem_shared>>
          tpu.wait_dma2 semaphore(%run_scoped3A : memref<!tpu.dma_semaphore, #tpu.memory_space<semaphore_mem>>) src(%dma_wait3A_101 : memref<1024x512xf32, #tpu.memory_space<vmem_shared>>) dst(%dma_wait3A_98 : memref<1024x512xf32, #tpu.memory_space<hbm>>)
          tpu.yield
        }) : () -> ()
      } else {
      }
      %add3A_69 = arith.constant 112 : i32
      %add3A_70 = arith.addi %arg1, %add3A_69 : i32
      %lt3A_71 = arith.constant 146 : i32
      %lt3A_72 = arith.cmpi slt, %add3A_70, %lt3A_71 : i32
      %convert_element_type3A_73 = arith.extui %lt3A_72 : i1 to i32
      %cond3A_74 = arith.constant 0 : i32
      %cond3A_75 = arith.cmpi ne, %convert_element_type3A_73, %cond3A_74 : i32
      scf.if %cond3A_75 {
        "tpu.region"() ({
          %run_scoped3A = tpu.sem_alloc : memref<!tpu.dma_semaphore, #tpu.memory_space<semaphore_mem>>
          %dma_start3A = arith.constant 0 : i32
          %dma_start3A_90 = arith.constant 0 : i32
          %dma_start3A_91 = tpu.memref_slice %arg3[%add3A_70, %dma_start3A, %dma_start3A_90] : memref<291x2048x512xf32, #tpu.memory_space<hbm>> -> memref<1x1024x512xf32, #tpu.memory_space<hbm>>
          %dma_start3A_92 = tpu.memref_squeeze %dma_start3A_91 : memref<1x1024x512xf32, #tpu.memory_space<hbm>> -> memref<1024x512xf32, #tpu.memory_space<hbm>>
          %dma_start3A_93 = arith.constant 0 : i32
          %dma_start3A_94 = arith.constant 0 : i32
          %dma_start3A_95 = tpu.memref_slice %arg4[%dma_start3A_93, %dma_start3A_94] : memref<3072x512xf32, #tpu.memory_space<vmem_shared>> -> memref<1024x512xf32, #tpu.memory_space<vmem_shared>>
          tpu.enqueue_dma source(%dma_start3A_95 : memref<1024x512xf32, #tpu.memory_space<vmem_shared>>) target(%dma_start3A_92 : memref<1024x512xf32, #tpu.memory_space<hbm>>) target_semaphore(%run_scoped3A : memref<!tpu.dma_semaphore, #tpu.memory_space<semaphore_mem>>)
          %dma_wait3A = arith.constant 0 : i32
          %dma_wait3A_96 = arith.constant 0 : i32
          %dma_wait3A_97 = tpu.memref_slice %arg3[%add3A_70, %dma_wait3A, %dma_wait3A_96] : memref<291x2048x512xf32, #tpu.memory_space<hbm>> -> memref<1x1024x512xf32, #tpu.memory_space<hbm>>
          %dma_wait3A_98 = tpu.memref_squeeze %dma_wait3A_97 : memref<1x1024x512xf32, #tpu.memory_space<hbm>> -> memref<1024x512xf32, #tpu.memory_space<hbm>>
          %dma_wait3A_99 = arith.constant 0 : i32
          %dma_wait3A_100 = arith.constant 0 : i32
          %dma_wait3A_101 = tpu.memref_slice %arg4[%dma_wait3A_99, %dma_wait3A_100] : memref<3072x512xf32, #tpu.memory_space<vmem_shared>> -> memref<1024x512xf32, #tpu.memory_space<vmem_shared>>
          tpu.wait_dma2 semaphore(%run_scoped3A : memref<!tpu.dma_semaphore, #tpu.memory_space<semaphore_mem>>) src(%dma_wait3A_101 : memref<1024x512xf32, #tpu.memory_space<vmem_shared>>) dst(%dma_wait3A_98 : memref<1024x512xf32, #tpu.memory_space<hbm>>)
          tpu.yield
        }) : () -> ()
        "tpu.region"() ({
          %run_scoped3A = tpu.sem_alloc : memref<!tpu.dma_semaphore, #tpu.memory_space<semaphore_mem>>
          %dma_start3A = arith.constant 1024 : i32
          %dma_start3A_90 = arith.constant 0 : i32
          %dma_start3A_91 = tpu.memref_slice %arg3[%add3A_70, %dma_start3A, %dma_start3A_90] : memref<291x2048x512xf32, #tpu.memory_space<hbm>> -> memref<1x1024x512xf32, #tpu.memory_space<hbm>>
          %dma_start3A_92 = tpu.memref_squeeze %dma_start3A_91 : memref<1x1024x512xf32, #tpu.memory_space<hbm>> -> memref<1024x512xf32, #tpu.memory_space<hbm>>
          %dma_start3A_93 = arith.constant 1024 : i32
          %dma_start3A_94 = arith.constant 0 : i32
          %dma_start3A_95 = tpu.memref_slice %arg4[%dma_start3A_93, %dma_start3A_94] : memref<3072x512xf32, #tpu.memory_space<vmem_shared>> -> memref<1024x512xf32, #tpu.memory_space<vmem_shared>>
          tpu.enqueue_dma source(%dma_start3A_95 : memref<1024x512xf32, #tpu.memory_space<vmem_shared>>) target(%dma_start3A_92 : memref<1024x512xf32, #tpu.memory_space<hbm>>) target_semaphore(%run_scoped3A : memref<!tpu.dma_semaphore, #tpu.memory_space<semaphore_mem>>)
          %dma_wait3A = arith.constant 1024 : i32
          %dma_wait3A_96 = arith.constant 0 : i32
          %dma_wait3A_97 = tpu.memref_slice %arg3[%add3A_70, %dma_wait3A, %dma_wait3A_96] : memref<291x2048x512xf32, #tpu.memory_space<hbm>> -> memref<1x1024x512xf32, #tpu.memory_space<hbm>>
          %dma_wait3A_98 = tpu.memref_squeeze %dma_wait3A_97 : memref<1x1024x512xf32, #tpu.memory_space<hbm>> -> memref<1024x512xf32, #tpu.memory_space<hbm>>
          %dma_wait3A_99 = arith.constant 1024 : i32
          %dma_wait3A_100 = arith.constant 0 : i32
          %dma_wait3A_101 = tpu.memref_slice %arg4[%dma_wait3A_99, %dma_wait3A_100] : memref<3072x512xf32, #tpu.memory_space<vmem_shared>> -> memref<1024x512xf32, #tpu.memory_space<vmem_shared>>
          tpu.wait_dma2 semaphore(%run_scoped3A : memref<!tpu.dma_semaphore, #tpu.memory_space<semaphore_mem>>) src(%dma_wait3A_101 : memref<1024x512xf32, #tpu.memory_space<vmem_shared>>) dst(%dma_wait3A_98 : memref<1024x512xf32, #tpu.memory_space<hbm>>)
          tpu.yield
        }) : () -> ()
      } else {
      }
      %add3A_76 = arith.constant 128 : i32
      %add3A_77 = arith.addi %arg1, %add3A_76 : i32
      %lt3A_78 = arith.constant 146 : i32
      %lt3A_79 = arith.cmpi slt, %add3A_77, %lt3A_78 : i32
      %convert_element_type3A_80 = arith.extui %lt3A_79 : i1 to i32
      %cond3A_81 = arith.constant 0 : i32
      %cond3A_82 = arith.cmpi ne, %convert_element_type3A_80, %cond3A_81 : i32
      scf.if %cond3A_82 {
        "tpu.region"() ({
          %run_scoped3A = tpu.sem_alloc : memref<!tpu.dma_semaphore, #tpu.memory_space<semaphore_mem>>
          %dma_start3A = arith.constant 0 : i32
          %dma_start3A_90 = arith.constant 0 : i32
          %dma_start3A_91 = tpu.memref_slice %arg3[%add3A_77, %dma_start3A, %dma_start3A_90] : memref<291x2048x512xf32, #tpu.memory_space<hbm>> -> memref<1x1024x512xf32, #tpu.memory_space<hbm>>
          %dma_start3A_92 = tpu.memref_squeeze %dma_start3A_91 : memref<1x1024x512xf32, #tpu.memory_space<hbm>> -> memref<1024x512xf32, #tpu.memory_space<hbm>>
          %dma_start3A_93 = arith.constant 0 : i32
          %dma_start3A_94 = arith.constant 0 : i32
          %dma_start3A_95 = tpu.memref_slice %arg4[%dma_start3A_93, %dma_start3A_94] : memref<3072x512xf32, #tpu.memory_space<vmem_shared>> -> memref<1024x512xf32, #tpu.memory_space<vmem_shared>>
          tpu.enqueue_dma source(%dma_start3A_95 : memref<1024x512xf32, #tpu.memory_space<vmem_shared>>) target(%dma_start3A_92 : memref<1024x512xf32, #tpu.memory_space<hbm>>) target_semaphore(%run_scoped3A : memref<!tpu.dma_semaphore, #tpu.memory_space<semaphore_mem>>)
          %dma_wait3A = arith.constant 0 : i32
          %dma_wait3A_96 = arith.constant 0 : i32
          %dma_wait3A_97 = tpu.memref_slice %arg3[%add3A_77, %dma_wait3A, %dma_wait3A_96] : memref<291x2048x512xf32, #tpu.memory_space<hbm>> -> memref<1x1024x512xf32, #tpu.memory_space<hbm>>
          %dma_wait3A_98 = tpu.memref_squeeze %dma_wait3A_97 : memref<1x1024x512xf32, #tpu.memory_space<hbm>> -> memref<1024x512xf32, #tpu.memory_space<hbm>>
          %dma_wait3A_99 = arith.constant 0 : i32
          %dma_wait3A_100 = arith.constant 0 : i32
          %dma_wait3A_101 = tpu.memref_slice %arg4[%dma_wait3A_99, %dma_wait3A_100] : memref<3072x512xf32, #tpu.memory_space<vmem_shared>> -> memref<1024x512xf32, #tpu.memory_space<vmem_shared>>
          tpu.wait_dma2 semaphore(%run_scoped3A : memref<!tpu.dma_semaphore, #tpu.memory_space<semaphore_mem>>) src(%dma_wait3A_101 : memref<1024x512xf32, #tpu.memory_space<vmem_shared>>) dst(%dma_wait3A_98 : memref<1024x512xf32, #tpu.memory_space<hbm>>)
          tpu.yield
        }) : () -> ()
        "tpu.region"() ({
          %run_scoped3A = tpu.sem_alloc : memref<!tpu.dma_semaphore, #tpu.memory_space<semaphore_mem>>
          %dma_start3A = arith.constant 1024 : i32
          %dma_start3A_90 = arith.constant 0 : i32
          %dma_start3A_91 = tpu.memref_slice %arg3[%add3A_77, %dma_start3A, %dma_start3A_90] : memref<291x2048x512xf32, #tpu.memory_space<hbm>> -> memref<1x1024x512xf32, #tpu.memory_space<hbm>>
          %dma_start3A_92 = tpu.memref_squeeze %dma_start3A_91 : memref<1x1024x512xf32, #tpu.memory_space<hbm>> -> memref<1024x512xf32, #tpu.memory_space<hbm>>
          %dma_start3A_93 = arith.constant 1024 : i32
          %dma_start3A_94 = arith.constant 0 : i32
          %dma_start3A_95 = tpu.memref_slice %arg4[%dma_start3A_93, %dma_start3A_94] : memref<3072x512xf32, #tpu.memory_space<vmem_shared>> -> memref<1024x512xf32, #tpu.memory_space<vmem_shared>>
          tpu.enqueue_dma source(%dma_start3A_95 : memref<1024x512xf32, #tpu.memory_space<vmem_shared>>) target(%dma_start3A_92 : memref<1024x512xf32, #tpu.memory_space<hbm>>) target_semaphore(%run_scoped3A : memref<!tpu.dma_semaphore, #tpu.memory_space<semaphore_mem>>)
          %dma_wait3A = arith.constant 1024 : i32
          %dma_wait3A_96 = arith.constant 0 : i32
          %dma_wait3A_97 = tpu.memref_slice %arg3[%add3A_77, %dma_wait3A, %dma_wait3A_96] : memref<291x2048x512xf32, #tpu.memory_space<hbm>> -> memref<1x1024x512xf32, #tpu.memory_space<hbm>>
          %dma_wait3A_98 = tpu.memref_squeeze %dma_wait3A_97 : memref<1x1024x512xf32, #tpu.memory_space<hbm>> -> memref<1024x512xf32, #tpu.memory_space<hbm>>
          %dma_wait3A_99 = arith.constant 1024 : i32
          %dma_wait3A_100 = arith.constant 0 : i32
          %dma_wait3A_101 = tpu.memref_slice %arg4[%dma_wait3A_99, %dma_wait3A_100] : memref<3072x512xf32, #tpu.memory_space<vmem_shared>> -> memref<1024x512xf32, #tpu.memory_space<vmem_shared>>
          tpu.wait_dma2 semaphore(%run_scoped3A : memref<!tpu.dma_semaphore, #tpu.memory_space<semaphore_mem>>) src(%dma_wait3A_101 : memref<1024x512xf32, #tpu.memory_space<vmem_shared>>) dst(%dma_wait3A_98 : memref<1024x512xf32, #tpu.memory_space<hbm>>)
          tpu.yield
        }) : () -> ()
      } else {
      }
      %add3A_83 = arith.constant 144 : i32
      %add3A_84 = arith.addi %arg1, %add3A_83 : i32
      %lt3A_85 = arith.constant 146 : i32
      %lt3A_86 = arith.cmpi slt, %add3A_84, %lt3A_85 : i32
      %convert_element_type3A_87 = arith.extui %lt3A_86 : i1 to i32
      %cond3A_88 = arith.constant 0 : i32
      %cond3A_89 = arith.cmpi ne, %convert_element_type3A_87, %cond3A_88 : i32
      scf.if %cond3A_89 {
        "tpu.region"() ({
          %run_scoped3A = tpu.sem_alloc : memref<!tpu.dma_semaphore, #tpu.memory_space<semaphore_mem>>
          %dma_start3A = arith.constant 0 : i32
          %dma_start3A_90 = arith.constant 0 : i32
          %dma_start3A_91 = tpu.memref_slice %arg3[%add3A_84, %dma_start3A, %dma_start3A_90] : memref<291x2048x512xf32, #tpu.memory_space<hbm>> -> memref<1x1024x512xf32, #tpu.memory_space<hbm>>
          %dma_start3A_92 = tpu.memref_squeeze %dma_start3A_91 : memref<1x1024x512xf32, #tpu.memory_space<hbm>> -> memref<1024x512xf32, #tpu.memory_space<hbm>>
          %dma_start3A_93 = arith.constant 0 : i32
          %dma_start3A_94 = arith.constant 0 : i32
          %dma_start3A_95 = tpu.memref_slice %arg4[%dma_start3A_93, %dma_start3A_94] : memref<3072x512xf32, #tpu.memory_space<vmem_shared>> -> memref<1024x512xf32, #tpu.memory_space<vmem_shared>>
          tpu.enqueue_dma source(%dma_start3A_95 : memref<1024x512xf32, #tpu.memory_space<vmem_shared>>) target(%dma_start3A_92 : memref<1024x512xf32, #tpu.memory_space<hbm>>) target_semaphore(%run_scoped3A : memref<!tpu.dma_semaphore, #tpu.memory_space<semaphore_mem>>)
          %dma_wait3A = arith.constant 0 : i32
          %dma_wait3A_96 = arith.constant 0 : i32
          %dma_wait3A_97 = tpu.memref_slice %arg3[%add3A_84, %dma_wait3A, %dma_wait3A_96] : memref<291x2048x512xf32, #tpu.memory_space<hbm>> -> memref<1x1024x512xf32, #tpu.memory_space<hbm>>
          %dma_wait3A_98 = tpu.memref_squeeze %dma_wait3A_97 : memref<1x1024x512xf32, #tpu.memory_space<hbm>> -> memref<1024x512xf32, #tpu.memory_space<hbm>>
          %dma_wait3A_99 = arith.constant 0 : i32
          %dma_wait3A_100 = arith.constant 0 : i32
          %dma_wait3A_101 = tpu.memref_slice %arg4[%dma_wait3A_99, %dma_wait3A_100] : memref<3072x512xf32, #tpu.memory_space<vmem_shared>> -> memref<1024x512xf32, #tpu.memory_space<vmem_shared>>
          tpu.wait_dma2 semaphore(%run_scoped3A : memref<!tpu.dma_semaphore, #tpu.memory_space<semaphore_mem>>) src(%dma_wait3A_101 : memref<1024x512xf32, #tpu.memory_space<vmem_shared>>) dst(%dma_wait3A_98 : memref<1024x512xf32, #tpu.memory_space<hbm>>)
          tpu.yield
        }) : () -> ()
        "tpu.region"() ({
          %run_scoped3A = tpu.sem_alloc : memref<!tpu.dma_semaphore, #tpu.memory_space<semaphore_mem>>
          %dma_start3A = arith.constant 1024 : i32
          %dma_start3A_90 = arith.constant 0 : i32
          %dma_start3A_91 = tpu.memref_slice %arg3[%add3A_84, %dma_start3A, %dma_start3A_90] : memref<291x2048x512xf32, #tpu.memory_space<hbm>> -> memref<1x1024x512xf32, #tpu.memory_space<hbm>>
          %dma_start3A_92 = tpu.memref_squeeze %dma_start3A_91 : memref<1x1024x512xf32, #tpu.memory_space<hbm>> -> memref<1024x512xf32, #tpu.memory_space<hbm>>
          %dma_start3A_93 = arith.constant 1024 : i32
          %dma_start3A_94 = arith.constant 0 : i32
          %dma_start3A_95 = tpu.memref_slice %arg4[%dma_start3A_93, %dma_start3A_94] : memref<3072x512xf32, #tpu.memory_space<vmem_shared>> -> memref<1024x512xf32, #tpu.memory_space<vmem_shared>>
          tpu.enqueue_dma source(%dma_start3A_95 : memref<1024x512xf32, #tpu.memory_space<vmem_shared>>) target(%dma_start3A_92 : memref<1024x512xf32, #tpu.memory_space<hbm>>) target_semaphore(%run_scoped3A : memref<!tpu.dma_semaphore, #tpu.memory_space<semaphore_mem>>)
          %dma_wait3A = arith.constant 1024 : i32
          %dma_wait3A_96 = arith.constant 0 : i32
          %dma_wait3A_97 = tpu.memref_slice %arg3[%add3A_84, %dma_wait3A, %dma_wait3A_96] : memref<291x2048x512xf32, #tpu.memory_space<hbm>> -> memref<1x1024x512xf32, #tpu.memory_space<hbm>>
          %dma_wait3A_98 = tpu.memref_squeeze %dma_wait3A_97 : memref<1x1024x512xf32, #tpu.memory_space<hbm>> -> memref<1024x512xf32, #tpu.memory_space<hbm>>
          %dma_wait3A_99 = arith.constant 1024 : i32
          %dma_wait3A_100 = arith.constant 0 : i32
          %dma_wait3A_101 = tpu.memref_slice %arg4[%dma_wait3A_99, %dma_wait3A_100] : memref<3072x512xf32, #tpu.memory_space<vmem_shared>> -> memref<1024x512xf32, #tpu.memory_space<vmem_shared>>
          tpu.wait_dma2 semaphore(%run_scoped3A : memref<!tpu.dma_semaphore, #tpu.memory_space<semaphore_mem>>) src(%dma_wait3A_101 : memref<1024x512xf32, #tpu.memory_space<vmem_shared>>) dst(%dma_wait3A_98 : memref<1024x512xf32, #tpu.memory_space<hbm>>)
          tpu.yield
        }) : () -> ()
      } else {
      }
    } else {
    }
    %eq3A_17 = arith.constant 1 : i32
    %eq3A_18 = arith.cmpi eq, %arg0, %eq3A_17 : i32
    %convert_element_type3A_19 = arith.extui %eq3A_18 : i1 to i32
    %cond3A_20 = arith.constant 0 : i32
    %cond3A_21 = arith.cmpi ne, %convert_element_type3A_19, %cond3A_20 : i32
    scf.if %cond3A_21 {
      %add3A = arith.constant 152 : i32
      %add3A_22 = arith.addi %add3A, %arg1 : i32
      %add3A_23 = arith.constant 0 : i32
      %add3A_24 = arith.addi %add3A_22, %add3A_23 : i32
      %lt3A = arith.constant 291 : i32
      %lt3A_25 = arith.cmpi slt, %add3A_24, %lt3A : i32
      %convert_element_type3A_26 = arith.extui %lt3A_25 : i1 to i32
      %cond3A_27 = arith.constant 0 : i32
      %cond3A_28 = arith.cmpi ne, %convert_element_type3A_26, %cond3A_27 : i32
      scf.if %cond3A_28 {
        "tpu.region"() ({
          %run_scoped3A = tpu.sem_alloc : memref<!tpu.dma_semaphore, #tpu.memory_space<semaphore_mem>>
          %dma_start3A = arith.constant 0 : i32
          %dma_start3A_106 = arith.constant 0 : i32
          %dma_start3A_107 = tpu.memref_slice %arg3[%add3A_24, %dma_start3A, %dma_start3A_106] : memref<291x2048x512xf32, #tpu.memory_space<hbm>> -> memref<1x1024x512xf32, #tpu.memory_space<hbm>>
          %dma_start3A_108 = tpu.memref_squeeze %dma_start3A_107 : memref<1x1024x512xf32, #tpu.memory_space<hbm>> -> memref<1024x512xf32, #tpu.memory_space<hbm>>
          %dma_start3A_109 = arith.constant 1024 : i32
          %dma_start3A_110 = arith.constant 0 : i32
          %dma_start3A_111 = tpu.memref_slice %arg4[%dma_start3A_109, %dma_start3A_110] : memref<3072x512xf32, #tpu.memory_space<vmem_shared>> -> memref<1024x512xf32, #tpu.memory_space<vmem_shared>>
          tpu.enqueue_dma source(%dma_start3A_111 : memref<1024x512xf32, #tpu.memory_space<vmem_shared>>) target(%dma_start3A_108 : memref<1024x512xf32, #tpu.memory_space<hbm>>) target_semaphore(%run_scoped3A : memref<!tpu.dma_semaphore, #tpu.memory_space<semaphore_mem>>)
          %dma_wait3A = arith.constant 0 : i32
          %dma_wait3A_112 = arith.constant 0 : i32
          %dma_wait3A_113 = tpu.memref_slice %arg3[%add3A_24, %dma_wait3A, %dma_wait3A_112] : memref<291x2048x512xf32, #tpu.memory_space<hbm>> -> memref<1x1024x512xf32, #tpu.memory_space<hbm>>
          %dma_wait3A_114 = tpu.memref_squeeze %dma_wait3A_113 : memref<1x1024x512xf32, #tpu.memory_space<hbm>> -> memref<1024x512xf32, #tpu.memory_space<hbm>>
          %dma_wait3A_115 = arith.constant 1024 : i32
          %dma_wait3A_116 = arith.constant 0 : i32
          %dma_wait3A_117 = tpu.memref_slice %arg4[%dma_wait3A_115, %dma_wait3A_116] : memref<3072x512xf32, #tpu.memory_space<vmem_shared>> -> memref<1024x512xf32, #tpu.memory_space<vmem_shared>>
          tpu.wait_dma2 semaphore(%run_scoped3A : memref<!tpu.dma_semaphore, #tpu.memory_space<semaphore_mem>>) src(%dma_wait3A_117 : memref<1024x512xf32, #tpu.memory_space<vmem_shared>>) dst(%dma_wait3A_114 : memref<1024x512xf32, #tpu.memory_space<hbm>>)
          tpu.yield
        }) : () -> ()
        "tpu.region"() ({
          %run_scoped3A = tpu.sem_alloc : memref<!tpu.dma_semaphore, #tpu.memory_space<semaphore_mem>>
          %dma_start3A = arith.constant 1024 : i32
          %dma_start3A_106 = arith.constant 0 : i32
          %dma_start3A_107 = tpu.memref_slice %arg3[%add3A_24, %dma_start3A, %dma_start3A_106] : memref<291x2048x512xf32, #tpu.memory_space<hbm>> -> memref<1x1024x512xf32, #tpu.memory_space<hbm>>
          %dma_start3A_108 = tpu.memref_squeeze %dma_start3A_107 : memref<1x1024x512xf32, #tpu.memory_space<hbm>> -> memref<1024x512xf32, #tpu.memory_space<hbm>>
          %dma_start3A_109 = arith.constant 2048 : i32
          %dma_start3A_110 = arith.constant 0 : i32
          %dma_start3A_111 = tpu.memref_slice %arg4[%dma_start3A_109, %dma_start3A_110] : memref<3072x512xf32, #tpu.memory_space<vmem_shared>> -> memref<1024x512xf32, #tpu.memory_space<vmem_shared>>
          tpu.enqueue_dma source(%dma_start3A_111 : memref<1024x512xf32, #tpu.memory_space<vmem_shared>>) target(%dma_start3A_108 : memref<1024x512xf32, #tpu.memory_space<hbm>>) target_semaphore(%run_scoped3A : memref<!tpu.dma_semaphore, #tpu.memory_space<semaphore_mem>>)
          %dma_wait3A = arith.constant 1024 : i32
          %dma_wait3A_112 = arith.constant 0 : i32
          %dma_wait3A_113 = tpu.memref_slice %arg3[%add3A_24, %dma_wait3A, %dma_wait3A_112] : memref<291x2048x512xf32, #tpu.memory_space<hbm>> -> memref<1x1024x512xf32, #tpu.memory_space<hbm>>
          %dma_wait3A_114 = tpu.memref_squeeze %dma_wait3A_113 : memref<1x1024x512xf32, #tpu.memory_space<hbm>> -> memref<1024x512xf32, #tpu.memory_space<hbm>>
          %dma_wait3A_115 = arith.constant 2048 : i32
          %dma_wait3A_116 = arith.constant 0 : i32
          %dma_wait3A_117 = tpu.memref_slice %arg4[%dma_wait3A_115, %dma_wait3A_116] : memref<3072x512xf32, #tpu.memory_space<vmem_shared>> -> memref<1024x512xf32, #tpu.memory_space<vmem_shared>>
          tpu.wait_dma2 semaphore(%run_scoped3A : memref<!tpu.dma_semaphore, #tpu.memory_space<semaphore_mem>>) src(%dma_wait3A_117 : memref<1024x512xf32, #tpu.memory_space<vmem_shared>>) dst(%dma_wait3A_114 : memref<1024x512xf32, #tpu.memory_space<hbm>>)
          tpu.yield
        }) : () -> ()
      } else {
      }
      %add3A_29 = arith.constant 152 : i32
      %add3A_30 = arith.addi %add3A_29, %arg1 : i32
      %add3A_31 = arith.constant 16 : i32
      %add3A_32 = arith.addi %add3A_30, %add3A_31 : i32
      %lt3A_33 = arith.constant 291 : i32
      %lt3A_34 = arith.cmpi slt, %add3A_32, %lt3A_33 : i32
      %convert_element_type3A_35 = arith.extui %lt3A_34 : i1 to i32
      %cond3A_36 = arith.constant 0 : i32
      %cond3A_37 = arith.cmpi ne, %convert_element_type3A_35, %cond3A_36 : i32
      scf.if %cond3A_37 {
        "tpu.region"() ({
          %run_scoped3A = tpu.sem_alloc : memref<!tpu.dma_semaphore, #tpu.memory_space<semaphore_mem>>
          %dma_start3A = arith.constant 0 : i32
          %dma_start3A_106 = arith.constant 0 : i32
          %dma_start3A_107 = tpu.memref_slice %arg3[%add3A_32, %dma_start3A, %dma_start3A_106] : memref<291x2048x512xf32, #tpu.memory_space<hbm>> -> memref<1x1024x512xf32, #tpu.memory_space<hbm>>
          %dma_start3A_108 = tpu.memref_squeeze %dma_start3A_107 : memref<1x1024x512xf32, #tpu.memory_space<hbm>> -> memref<1024x512xf32, #tpu.memory_space<hbm>>
          %dma_start3A_109 = arith.constant 1024 : i32
          %dma_start3A_110 = arith.constant 0 : i32
          %dma_start3A_111 = tpu.memref_slice %arg4[%dma_start3A_109, %dma_start3A_110] : memref<3072x512xf32, #tpu.memory_space<vmem_shared>> -> memref<1024x512xf32, #tpu.memory_space<vmem_shared>>
          tpu.enqueue_dma source(%dma_start3A_111 : memref<1024x512xf32, #tpu.memory_space<vmem_shared>>) target(%dma_start3A_108 : memref<1024x512xf32, #tpu.memory_space<hbm>>) target_semaphore(%run_scoped3A : memref<!tpu.dma_semaphore, #tpu.memory_space<semaphore_mem>>)
          %dma_wait3A = arith.constant 0 : i32
          %dma_wait3A_112 = arith.constant 0 : i32
          %dma_wait3A_113 = tpu.memref_slice %arg3[%add3A_32, %dma_wait3A, %dma_wait3A_112] : memref<291x2048x512xf32, #tpu.memory_space<hbm>> -> memref<1x1024x512xf32, #tpu.memory_space<hbm>>
          %dma_wait3A_114 = tpu.memref_squeeze %dma_wait3A_113 : memref<1x1024x512xf32, #tpu.memory_space<hbm>> -> memref<1024x512xf32, #tpu.memory_space<hbm>>
          %dma_wait3A_115 = arith.constant 1024 : i32
          %dma_wait3A_116 = arith.constant 0 : i32
          %dma_wait3A_117 = tpu.memref_slice %arg4[%dma_wait3A_115, %dma_wait3A_116] : memref<3072x512xf32, #tpu.memory_space<vmem_shared>> -> memref<1024x512xf32, #tpu.memory_space<vmem_shared>>
          tpu.wait_dma2 semaphore(%run_scoped3A : memref<!tpu.dma_semaphore, #tpu.memory_space<semaphore_mem>>) src(%dma_wait3A_117 : memref<1024x512xf32, #tpu.memory_space<vmem_shared>>) dst(%dma_wait3A_114 : memref<1024x512xf32, #tpu.memory_space<hbm>>)
          tpu.yield
        }) : () -> ()
        "tpu.region"() ({
          %run_scoped3A = tpu.sem_alloc : memref<!tpu.dma_semaphore, #tpu.memory_space<semaphore_mem>>
          %dma_start3A = arith.constant 1024 : i32
          %dma_start3A_106 = arith.constant 0 : i32
          %dma_start3A_107 = tpu.memref_slice %arg3[%add3A_32, %dma_start3A, %dma_start3A_106] : memref<291x2048x512xf32, #tpu.memory_space<hbm>> -> memref<1x1024x512xf32, #tpu.memory_space<hbm>>
          %dma_start3A_108 = tpu.memref_squeeze %dma_start3A_107 : memref<1x1024x512xf32, #tpu.memory_space<hbm>> -> memref<1024x512xf32, #tpu.memory_space<hbm>>
          %dma_start3A_109 = arith.constant 2048 : i32
          %dma_start3A_110 = arith.constant 0 : i32
          %dma_start3A_111 = tpu.memref_slice %arg4[%dma_start3A_109, %dma_start3A_110] : memref<3072x512xf32, #tpu.memory_space<vmem_shared>> -> memref<1024x512xf32, #tpu.memory_space<vmem_shared>>
          tpu.enqueue_dma source(%dma_start3A_111 : memref<1024x512xf32, #tpu.memory_space<vmem_shared>>) target(%dma_start3A_108 : memref<1024x512xf32, #tpu.memory_space<hbm>>) target_semaphore(%run_scoped3A : memref<!tpu.dma_semaphore, #tpu.memory_space<semaphore_mem>>)
          %dma_wait3A = arith.constant 1024 : i32
          %dma_wait3A_112 = arith.constant 0 : i32
          %dma_wait3A_113 = tpu.memref_slice %arg3[%add3A_32, %dma_wait3A, %dma_wait3A_112] : memref<291x2048x512xf32, #tpu.memory_space<hbm>> -> memref<1x1024x512xf32, #tpu.memory_space<hbm>>
          %dma_wait3A_114 = tpu.memref_squeeze %dma_wait3A_113 : memref<1x1024x512xf32, #tpu.memory_space<hbm>> -> memref<1024x512xf32, #tpu.memory_space<hbm>>
          %dma_wait3A_115 = arith.constant 2048 : i32
          %dma_wait3A_116 = arith.constant 0 : i32
          %dma_wait3A_117 = tpu.memref_slice %arg4[%dma_wait3A_115, %dma_wait3A_116] : memref<3072x512xf32, #tpu.memory_space<vmem_shared>> -> memref<1024x512xf32, #tpu.memory_space<vmem_shared>>
          tpu.wait_dma2 semaphore(%run_scoped3A : memref<!tpu.dma_semaphore, #tpu.memory_space<semaphore_mem>>) src(%dma_wait3A_117 : memref<1024x512xf32, #tpu.memory_space<vmem_shared>>) dst(%dma_wait3A_114 : memref<1024x512xf32, #tpu.memory_space<hbm>>)
          tpu.yield
        }) : () -> ()
      } else {
      }
      %add3A_38 = arith.constant 152 : i32
      %add3A_39 = arith.addi %add3A_38, %arg1 : i32
      %add3A_40 = arith.constant 32 : i32
      %add3A_41 = arith.addi %add3A_39, %add3A_40 : i32
      %lt3A_42 = arith.constant 291 : i32
      %lt3A_43 = arith.cmpi slt, %add3A_41, %lt3A_42 : i32
      %convert_element_type3A_44 = arith.extui %lt3A_43 : i1 to i32
      %cond3A_45 = arith.constant 0 : i32
      %cond3A_46 = arith.cmpi ne, %convert_element_type3A_44, %cond3A_45 : i32
      scf.if %cond3A_46 {
        "tpu.region"() ({
          %run_scoped3A = tpu.sem_alloc : memref<!tpu.dma_semaphore, #tpu.memory_space<semaphore_mem>>
          %dma_start3A = arith.constant 0 : i32
          %dma_start3A_106 = arith.constant 0 : i32
          %dma_start3A_107 = tpu.memref_slice %arg3[%add3A_41, %dma_start3A, %dma_start3A_106] : memref<291x2048x512xf32, #tpu.memory_space<hbm>> -> memref<1x1024x512xf32, #tpu.memory_space<hbm>>
          %dma_start3A_108 = tpu.memref_squeeze %dma_start3A_107 : memref<1x1024x512xf32, #tpu.memory_space<hbm>> -> memref<1024x512xf32, #tpu.memory_space<hbm>>
          %dma_start3A_109 = arith.constant 1024 : i32
          %dma_start3A_110 = arith.constant 0 : i32
          %dma_start3A_111 = tpu.memref_slice %arg4[%dma_start3A_109, %dma_start3A_110] : memref<3072x512xf32, #tpu.memory_space<vmem_shared>> -> memref<1024x512xf32, #tpu.memory_space<vmem_shared>>
          tpu.enqueue_dma source(%dma_start3A_111 : memref<1024x512xf32, #tpu.memory_space<vmem_shared>>) target(%dma_start3A_108 : memref<1024x512xf32, #tpu.memory_space<hbm>>) target_semaphore(%run_scoped3A : memref<!tpu.dma_semaphore, #tpu.memory_space<semaphore_mem>>)
          %dma_wait3A = arith.constant 0 : i32
          %dma_wait3A_112 = arith.constant 0 : i32
          %dma_wait3A_113 = tpu.memref_slice %arg3[%add3A_41, %dma_wait3A, %dma_wait3A_112] : memref<291x2048x512xf32, #tpu.memory_space<hbm>> -> memref<1x1024x512xf32, #tpu.memory_space<hbm>>
          %dma_wait3A_114 = tpu.memref_squeeze %dma_wait3A_113 : memref<1x1024x512xf32, #tpu.memory_space<hbm>> -> memref<1024x512xf32, #tpu.memory_space<hbm>>
          %dma_wait3A_115 = arith.constant 1024 : i32
          %dma_wait3A_116 = arith.constant 0 : i32
          %dma_wait3A_117 = tpu.memref_slice %arg4[%dma_wait3A_115, %dma_wait3A_116] : memref<3072x512xf32, #tpu.memory_space<vmem_shared>> -> memref<1024x512xf32, #tpu.memory_space<vmem_shared>>
          tpu.wait_dma2 semaphore(%run_scoped3A : memref<!tpu.dma_semaphore, #tpu.memory_space<semaphore_mem>>) src(%dma_wait3A_117 : memref<1024x512xf32, #tpu.memory_space<vmem_shared>>) dst(%dma_wait3A_114 : memref<1024x512xf32, #tpu.memory_space<hbm>>)
          tpu.yield
        }) : () -> ()
        "tpu.region"() ({
          %run_scoped3A = tpu.sem_alloc : memref<!tpu.dma_semaphore, #tpu.memory_space<semaphore_mem>>
          %dma_start3A = arith.constant 1024 : i32
          %dma_start3A_106 = arith.constant 0 : i32
          %dma_start3A_107 = tpu.memref_slice %arg3[%add3A_41, %dma_start3A, %dma_start3A_106] : memref<291x2048x512xf32, #tpu.memory_space<hbm>> -> memref<1x1024x512xf32, #tpu.memory_space<hbm>>
          %dma_start3A_108 = tpu.memref_squeeze %dma_start3A_107 : memref<1x1024x512xf32, #tpu.memory_space<hbm>> -> memref<1024x512xf32, #tpu.memory_space<hbm>>
          %dma_start3A_109 = arith.constant 2048 : i32
          %dma_start3A_110 = arith.constant 0 : i32
          %dma_start3A_111 = tpu.memref_slice %arg4[%dma_start3A_109, %dma_start3A_110] : memref<3072x512xf32, #tpu.memory_space<vmem_shared>> -> memref<1024x512xf32, #tpu.memory_space<vmem_shared>>
          tpu.enqueue_dma source(%dma_start3A_111 : memref<1024x512xf32, #tpu.memory_space<vmem_shared>>) target(%dma_start3A_108 : memref<1024x512xf32, #tpu.memory_space<hbm>>) target_semaphore(%run_scoped3A : memref<!tpu.dma_semaphore, #tpu.memory_space<semaphore_mem>>)
          %dma_wait3A = arith.constant 1024 : i32
          %dma_wait3A_112 = arith.constant 0 : i32
          %dma_wait3A_113 = tpu.memref_slice %arg3[%add3A_41, %dma_wait3A, %dma_wait3A_112] : memref<291x2048x512xf32, #tpu.memory_space<hbm>> -> memref<1x1024x512xf32, #tpu.memory_space<hbm>>
          %dma_wait3A_114 = tpu.memref_squeeze %dma_wait3A_113 : memref<1x1024x512xf32, #tpu.memory_space<hbm>> -> memref<1024x512xf32, #tpu.memory_space<hbm>>
          %dma_wait3A_115 = arith.constant 2048 : i32
          %dma_wait3A_116 = arith.constant 0 : i32
          %dma_wait3A_117 = tpu.memref_slice %arg4[%dma_wait3A_115, %dma_wait3A_116] : memref<3072x512xf32, #tpu.memory_space<vmem_shared>> -> memref<1024x512xf32, #tpu.memory_space<vmem_shared>>
          tpu.wait_dma2 semaphore(%run_scoped3A : memref<!tpu.dma_semaphore, #tpu.memory_space<semaphore_mem>>) src(%dma_wait3A_117 : memref<1024x512xf32, #tpu.memory_space<vmem_shared>>) dst(%dma_wait3A_114 : memref<1024x512xf32, #tpu.memory_space<hbm>>)
          tpu.yield
        }) : () -> ()
      } else {
      }
      %add3A_47 = arith.constant 152 : i32
      %add3A_48 = arith.addi %add3A_47, %arg1 : i32
      %add3A_49 = arith.constant 48 : i32
      %add3A_50 = arith.addi %add3A_48, %add3A_49 : i32
      %lt3A_51 = arith.constant 291 : i32
      %lt3A_52 = arith.cmpi slt, %add3A_50, %lt3A_51 : i32
      %convert_element_type3A_53 = arith.extui %lt3A_52 : i1 to i32
      %cond3A_54 = arith.constant 0 : i32
      %cond3A_55 = arith.cmpi ne, %convert_element_type3A_53, %cond3A_54 : i32
      scf.if %cond3A_55 {
        "tpu.region"() ({
          %run_scoped3A = tpu.sem_alloc : memref<!tpu.dma_semaphore, #tpu.memory_space<semaphore_mem>>
          %dma_start3A = arith.constant 0 : i32
          %dma_start3A_106 = arith.constant 0 : i32
          %dma_start3A_107 = tpu.memref_slice %arg3[%add3A_50, %dma_start3A, %dma_start3A_106] : memref<291x2048x512xf32, #tpu.memory_space<hbm>> -> memref<1x1024x512xf32, #tpu.memory_space<hbm>>
          %dma_start3A_108 = tpu.memref_squeeze %dma_start3A_107 : memref<1x1024x512xf32, #tpu.memory_space<hbm>> -> memref<1024x512xf32, #tpu.memory_space<hbm>>
          %dma_start3A_109 = arith.constant 1024 : i32
          %dma_start3A_110 = arith.constant 0 : i32
          %dma_start3A_111 = tpu.memref_slice %arg4[%dma_start3A_109, %dma_start3A_110] : memref<3072x512xf32, #tpu.memory_space<vmem_shared>> -> memref<1024x512xf32, #tpu.memory_space<vmem_shared>>
          tpu.enqueue_dma source(%dma_start3A_111 : memref<1024x512xf32, #tpu.memory_space<vmem_shared>>) target(%dma_start3A_108 : memref<1024x512xf32, #tpu.memory_space<hbm>>) target_semaphore(%run_scoped3A : memref<!tpu.dma_semaphore, #tpu.memory_space<semaphore_mem>>)
          %dma_wait3A = arith.constant 0 : i32
          %dma_wait3A_112 = arith.constant 0 : i32
          %dma_wait3A_113 = tpu.memref_slice %arg3[%add3A_50, %dma_wait3A, %dma_wait3A_112] : memref<291x2048x512xf32, #tpu.memory_space<hbm>> -> memref<1x1024x512xf32, #tpu.memory_space<hbm>>
          %dma_wait3A_114 = tpu.memref_squeeze %dma_wait3A_113 : memref<1x1024x512xf32, #tpu.memory_space<hbm>> -> memref<1024x512xf32, #tpu.memory_space<hbm>>
          %dma_wait3A_115 = arith.constant 1024 : i32
          %dma_wait3A_116 = arith.constant 0 : i32
          %dma_wait3A_117 = tpu.memref_slice %arg4[%dma_wait3A_115, %dma_wait3A_116] : memref<3072x512xf32, #tpu.memory_space<vmem_shared>> -> memref<1024x512xf32, #tpu.memory_space<vmem_shared>>
          tpu.wait_dma2 semaphore(%run_scoped3A : memref<!tpu.dma_semaphore, #tpu.memory_space<semaphore_mem>>) src(%dma_wait3A_117 : memref<1024x512xf32, #tpu.memory_space<vmem_shared>>) dst(%dma_wait3A_114 : memref<1024x512xf32, #tpu.memory_space<hbm>>)
          tpu.yield
        }) : () -> ()
        "tpu.region"() ({
          %run_scoped3A = tpu.sem_alloc : memref<!tpu.dma_semaphore, #tpu.memory_space<semaphore_mem>>
          %dma_start3A = arith.constant 1024 : i32
          %dma_start3A_106 = arith.constant 0 : i32
          %dma_start3A_107 = tpu.memref_slice %arg3[%add3A_50, %dma_start3A, %dma_start3A_106] : memref<291x2048x512xf32, #tpu.memory_space<hbm>> -> memref<1x1024x512xf32, #tpu.memory_space<hbm>>
          %dma_start3A_108 = tpu.memref_squeeze %dma_start3A_107 : memref<1x1024x512xf32, #tpu.memory_space<hbm>> -> memref<1024x512xf32, #tpu.memory_space<hbm>>
          %dma_start3A_109 = arith.constant 2048 : i32
          %dma_start3A_110 = arith.constant 0 : i32
          %dma_start3A_111 = tpu.memref_slice %arg4[%dma_start3A_109, %dma_start3A_110] : memref<3072x512xf32, #tpu.memory_space<vmem_shared>> -> memref<1024x512xf32, #tpu.memory_space<vmem_shared>>
          tpu.enqueue_dma source(%dma_start3A_111 : memref<1024x512xf32, #tpu.memory_space<vmem_shared>>) target(%dma_start3A_108 : memref<1024x512xf32, #tpu.memory_space<hbm>>) target_semaphore(%run_scoped3A : memref<!tpu.dma_semaphore, #tpu.memory_space<semaphore_mem>>)
          %dma_wait3A = arith.constant 1024 : i32
          %dma_wait3A_112 = arith.constant 0 : i32
          %dma_wait3A_113 = tpu.memref_slice %arg3[%add3A_50, %dma_wait3A, %dma_wait3A_112] : memref<291x2048x512xf32, #tpu.memory_space<hbm>> -> memref<1x1024x512xf32, #tpu.memory_space<hbm>>
          %dma_wait3A_114 = tpu.memref_squeeze %dma_wait3A_113 : memref<1x1024x512xf32, #tpu.memory_space<hbm>> -> memref<1024x512xf32, #tpu.memory_space<hbm>>
          %dma_wait3A_115 = arith.constant 2048 : i32
          %dma_wait3A_116 = arith.constant 0 : i32
          %dma_wait3A_117 = tpu.memref_slice %arg4[%dma_wait3A_115, %dma_wait3A_116] : memref<3072x512xf32, #tpu.memory_space<vmem_shared>> -> memref<1024x512xf32, #tpu.memory_space<vmem_shared>>
          tpu.wait_dma2 semaphore(%run_scoped3A : memref<!tpu.dma_semaphore, #tpu.memory_space<semaphore_mem>>) src(%dma_wait3A_117 : memref<1024x512xf32, #tpu.memory_space<vmem_shared>>) dst(%dma_wait3A_114 : memref<1024x512xf32, #tpu.memory_space<hbm>>)
          tpu.yield
        }) : () -> ()
      } else {
      }
      %add3A_56 = arith.constant 152 : i32
      %add3A_57 = arith.addi %add3A_56, %arg1 : i32
      %add3A_58 = arith.constant 64 : i32
      %add3A_59 = arith.addi %add3A_57, %add3A_58 : i32
      %lt3A_60 = arith.constant 291 : i32
      %lt3A_61 = arith.cmpi slt, %add3A_59, %lt3A_60 : i32
      %convert_element_type3A_62 = arith.extui %lt3A_61 : i1 to i32
      %cond3A_63 = arith.constant 0 : i32
      %cond3A_64 = arith.cmpi ne, %convert_element_type3A_62, %cond3A_63 : i32
      scf.if %cond3A_64 {
        "tpu.region"() ({
          %run_scoped3A = tpu.sem_alloc : memref<!tpu.dma_semaphore, #tpu.memory_space<semaphore_mem>>
          %dma_start3A = arith.constant 0 : i32
          %dma_start3A_106 = arith.constant 0 : i32
          %dma_start3A_107 = tpu.memref_slice %arg3[%add3A_59, %dma_start3A, %dma_start3A_106] : memref<291x2048x512xf32, #tpu.memory_space<hbm>> -> memref<1x1024x512xf32, #tpu.memory_space<hbm>>
          %dma_start3A_108 = tpu.memref_squeeze %dma_start3A_107 : memref<1x1024x512xf32, #tpu.memory_space<hbm>> -> memref<1024x512xf32, #tpu.memory_space<hbm>>
          %dma_start3A_109 = arith.constant 1024 : i32
          %dma_start3A_110 = arith.constant 0 : i32
          %dma_start3A_111 = tpu.memref_slice %arg4[%dma_start3A_109, %dma_start3A_110] : memref<3072x512xf32, #tpu.memory_space<vmem_shared>> -> memref<1024x512xf32, #tpu.memory_space<vmem_shared>>
          tpu.enqueue_dma source(%dma_start3A_111 : memref<1024x512xf32, #tpu.memory_space<vmem_shared>>) target(%dma_start3A_108 : memref<1024x512xf32, #tpu.memory_space<hbm>>) target_semaphore(%run_scoped3A : memref<!tpu.dma_semaphore, #tpu.memory_space<semaphore_mem>>)
          %dma_wait3A = arith.constant 0 : i32
          %dma_wait3A_112 = arith.constant 0 : i32
          %dma_wait3A_113 = tpu.memref_slice %arg3[%add3A_59, %dma_wait3A, %dma_wait3A_112] : memref<291x2048x512xf32, #tpu.memory_space<hbm>> -> memref<1x1024x512xf32, #tpu.memory_space<hbm>>
          %dma_wait3A_114 = tpu.memref_squeeze %dma_wait3A_113 : memref<1x1024x512xf32, #tpu.memory_space<hbm>> -> memref<1024x512xf32, #tpu.memory_space<hbm>>
          %dma_wait3A_115 = arith.constant 1024 : i32
          %dma_wait3A_116 = arith.constant 0 : i32
          %dma_wait3A_117 = tpu.memref_slice %arg4[%dma_wait3A_115, %dma_wait3A_116] : memref<3072x512xf32, #tpu.memory_space<vmem_shared>> -> memref<1024x512xf32, #tpu.memory_space<vmem_shared>>
          tpu.wait_dma2 semaphore(%run_scoped3A : memref<!tpu.dma_semaphore, #tpu.memory_space<semaphore_mem>>) src(%dma_wait3A_117 : memref<1024x512xf32, #tpu.memory_space<vmem_shared>>) dst(%dma_wait3A_114 : memref<1024x512xf32, #tpu.memory_space<hbm>>)
          tpu.yield
        }) : () -> ()
        "tpu.region"() ({
          %run_scoped3A = tpu.sem_alloc : memref<!tpu.dma_semaphore, #tpu.memory_space<semaphore_mem>>
          %dma_start3A = arith.constant 1024 : i32
          %dma_start3A_106 = arith.constant 0 : i32
          %dma_start3A_107 = tpu.memref_slice %arg3[%add3A_59, %dma_start3A, %dma_start3A_106] : memref<291x2048x512xf32, #tpu.memory_space<hbm>> -> memref<1x1024x512xf32, #tpu.memory_space<hbm>>
          %dma_start3A_108 = tpu.memref_squeeze %dma_start3A_107 : memref<1x1024x512xf32, #tpu.memory_space<hbm>> -> memref<1024x512xf32, #tpu.memory_space<hbm>>
          %dma_start3A_109 = arith.constant 2048 : i32
          %dma_start3A_110 = arith.constant 0 : i32
          %dma_start3A_111 = tpu.memref_slice %arg4[%dma_start3A_109, %dma_start3A_110] : memref<3072x512xf32, #tpu.memory_space<vmem_shared>> -> memref<1024x512xf32, #tpu.memory_space<vmem_shared>>
          tpu.enqueue_dma source(%dma_start3A_111 : memref<1024x512xf32, #tpu.memory_space<vmem_shared>>) target(%dma_start3A_108 : memref<1024x512xf32, #tpu.memory_space<hbm>>) target_semaphore(%run_scoped3A : memref<!tpu.dma_semaphore, #tpu.memory_space<semaphore_mem>>)
          %dma_wait3A = arith.constant 1024 : i32
          %dma_wait3A_112 = arith.constant 0 : i32
          %dma_wait3A_113 = tpu.memref_slice %arg3[%add3A_59, %dma_wait3A, %dma_wait3A_112] : memref<291x2048x512xf32, #tpu.memory_space<hbm>> -> memref<1x1024x512xf32, #tpu.memory_space<hbm>>
          %dma_wait3A_114 = tpu.memref_squeeze %dma_wait3A_113 : memref<1x1024x512xf32, #tpu.memory_space<hbm>> -> memref<1024x512xf32, #tpu.memory_space<hbm>>
          %dma_wait3A_115 = arith.constant 2048 : i32
          %dma_wait3A_116 = arith.constant 0 : i32
          %dma_wait3A_117 = tpu.memref_slice %arg4[%dma_wait3A_115, %dma_wait3A_116] : memref<3072x512xf32, #tpu.memory_space<vmem_shared>> -> memref<1024x512xf32, #tpu.memory_space<vmem_shared>>
          tpu.wait_dma2 semaphore(%run_scoped3A : memref<!tpu.dma_semaphore, #tpu.memory_space<semaphore_mem>>) src(%dma_wait3A_117 : memref<1024x512xf32, #tpu.memory_space<vmem_shared>>) dst(%dma_wait3A_114 : memref<1024x512xf32, #tpu.memory_space<hbm>>)
          tpu.yield
        }) : () -> ()
      } else {
      }
      %add3A_65 = arith.constant 152 : i32
      %add3A_66 = arith.addi %add3A_65, %arg1 : i32
      %add3A_67 = arith.constant 80 : i32
      %add3A_68 = arith.addi %add3A_66, %add3A_67 : i32
      %lt3A_69 = arith.constant 291 : i32
      %lt3A_70 = arith.cmpi slt, %add3A_68, %lt3A_69 : i32
      %convert_element_type3A_71 = arith.extui %lt3A_70 : i1 to i32
      %cond3A_72 = arith.constant 0 : i32
      %cond3A_73 = arith.cmpi ne, %convert_element_type3A_71, %cond3A_72 : i32
      scf.if %cond3A_73 {
        "tpu.region"() ({
          %run_scoped3A = tpu.sem_alloc : memref<!tpu.dma_semaphore, #tpu.memory_space<semaphore_mem>>
          %dma_start3A = arith.constant 0 : i32
          %dma_start3A_106 = arith.constant 0 : i32
          %dma_start3A_107 = tpu.memref_slice %arg3[%add3A_68, %dma_start3A, %dma_start3A_106] : memref<291x2048x512xf32, #tpu.memory_space<hbm>> -> memref<1x1024x512xf32, #tpu.memory_space<hbm>>
          %dma_start3A_108 = tpu.memref_squeeze %dma_start3A_107 : memref<1x1024x512xf32, #tpu.memory_space<hbm>> -> memref<1024x512xf32, #tpu.memory_space<hbm>>
          %dma_start3A_109 = arith.constant 1024 : i32
          %dma_start3A_110 = arith.constant 0 : i32
          %dma_start3A_111 = tpu.memref_slice %arg4[%dma_start3A_109, %dma_start3A_110] : memref<3072x512xf32, #tpu.memory_space<vmem_shared>> -> memref<1024x512xf32, #tpu.memory_space<vmem_shared>>
          tpu.enqueue_dma source(%dma_start3A_111 : memref<1024x512xf32, #tpu.memory_space<vmem_shared>>) target(%dma_start3A_108 : memref<1024x512xf32, #tpu.memory_space<hbm>>) target_semaphore(%run_scoped3A : memref<!tpu.dma_semaphore, #tpu.memory_space<semaphore_mem>>)
          %dma_wait3A = arith.constant 0 : i32
          %dma_wait3A_112 = arith.constant 0 : i32
          %dma_wait3A_113 = tpu.memref_slice %arg3[%add3A_68, %dma_wait3A, %dma_wait3A_112] : memref<291x2048x512xf32, #tpu.memory_space<hbm>> -> memref<1x1024x512xf32, #tpu.memory_space<hbm>>
          %dma_wait3A_114 = tpu.memref_squeeze %dma_wait3A_113 : memref<1x1024x512xf32, #tpu.memory_space<hbm>> -> memref<1024x512xf32, #tpu.memory_space<hbm>>
          %dma_wait3A_115 = arith.constant 1024 : i32
          %dma_wait3A_116 = arith.constant 0 : i32
          %dma_wait3A_117 = tpu.memref_slice %arg4[%dma_wait3A_115, %dma_wait3A_116] : memref<3072x512xf32, #tpu.memory_space<vmem_shared>> -> memref<1024x512xf32, #tpu.memory_space<vmem_shared>>
          tpu.wait_dma2 semaphore(%run_scoped3A : memref<!tpu.dma_semaphore, #tpu.memory_space<semaphore_mem>>) src(%dma_wait3A_117 : memref<1024x512xf32, #tpu.memory_space<vmem_shared>>) dst(%dma_wait3A_114 : memref<1024x512xf32, #tpu.memory_space<hbm>>)
          tpu.yield
        }) : () -> ()
        "tpu.region"() ({
          %run_scoped3A = tpu.sem_alloc : memref<!tpu.dma_semaphore, #tpu.memory_space<semaphore_mem>>
          %dma_start3A = arith.constant 1024 : i32
          %dma_start3A_106 = arith.constant 0 : i32
          %dma_start3A_107 = tpu.memref_slice %arg3[%add3A_68, %dma_start3A, %dma_start3A_106] : memref<291x2048x512xf32, #tpu.memory_space<hbm>> -> memref<1x1024x512xf32, #tpu.memory_space<hbm>>
          %dma_start3A_108 = tpu.memref_squeeze %dma_start3A_107 : memref<1x1024x512xf32, #tpu.memory_space<hbm>> -> memref<1024x512xf32, #tpu.memory_space<hbm>>
          %dma_start3A_109 = arith.constant 2048 : i32
          %dma_start3A_110 = arith.constant 0 : i32
          %dma_start3A_111 = tpu.memref_slice %arg4[%dma_start3A_109, %dma_start3A_110] : memref<3072x512xf32, #tpu.memory_space<vmem_shared>> -> memref<1024x512xf32, #tpu.memory_space<vmem_shared>>
          tpu.enqueue_dma source(%dma_start3A_111 : memref<1024x512xf32, #tpu.memory_space<vmem_shared>>) target(%dma_start3A_108 : memref<1024x512xf32, #tpu.memory_space<hbm>>) target_semaphore(%run_scoped3A : memref<!tpu.dma_semaphore, #tpu.memory_space<semaphore_mem>>)
          %dma_wait3A = arith.constant 1024 : i32
          %dma_wait3A_112 = arith.constant 0 : i32
          %dma_wait3A_113 = tpu.memref_slice %arg3[%add3A_68, %dma_wait3A, %dma_wait3A_112] : memref<291x2048x512xf32, #tpu.memory_space<hbm>> -> memref<1x1024x512xf32, #tpu.memory_space<hbm>>
          %dma_wait3A_114 = tpu.memref_squeeze %dma_wait3A_113 : memref<1x1024x512xf32, #tpu.memory_space<hbm>> -> memref<1024x512xf32, #tpu.memory_space<hbm>>
          %dma_wait3A_115 = arith.constant 2048 : i32
          %dma_wait3A_116 = arith.constant 0 : i32
          %dma_wait3A_117 = tpu.memref_slice %arg4[%dma_wait3A_115, %dma_wait3A_116] : memref<3072x512xf32, #tpu.memory_space<vmem_shared>> -> memref<1024x512xf32, #tpu.memory_space<vmem_shared>>
          tpu.wait_dma2 semaphore(%run_scoped3A : memref<!tpu.dma_semaphore, #tpu.memory_space<semaphore_mem>>) src(%dma_wait3A_117 : memref<1024x512xf32, #tpu.memory_space<vmem_shared>>) dst(%dma_wait3A_114 : memref<1024x512xf32, #tpu.memory_space<hbm>>)
          tpu.yield
        }) : () -> ()
      } else {
      }
      %add3A_74 = arith.constant 152 : i32
      %add3A_75 = arith.addi %add3A_74, %arg1 : i32
      %add3A_76 = arith.constant 96 : i32
      %add3A_77 = arith.addi %add3A_75, %add3A_76 : i32
      %lt3A_78 = arith.constant 291 : i32
      %lt3A_79 = arith.cmpi slt, %add3A_77, %lt3A_78 : i32
      %convert_element_type3A_80 = arith.extui %lt3A_79 : i1 to i32
      %cond3A_81 = arith.constant 0 : i32
      %cond3A_82 = arith.cmpi ne, %convert_element_type3A_80, %cond3A_81 : i32
      scf.if %cond3A_82 {
        "tpu.region"() ({
          %run_scoped3A = tpu.sem_alloc : memref<!tpu.dma_semaphore, #tpu.memory_space<semaphore_mem>>
          %dma_start3A = arith.constant 0 : i32
          %dma_start3A_106 = arith.constant 0 : i32
          %dma_start3A_107 = tpu.memref_slice %arg3[%add3A_77, %dma_start3A, %dma_start3A_106] : memref<291x2048x512xf32, #tpu.memory_space<hbm>> -> memref<1x1024x512xf32, #tpu.memory_space<hbm>>
          %dma_start3A_108 = tpu.memref_squeeze %dma_start3A_107 : memref<1x1024x512xf32, #tpu.memory_space<hbm>> -> memref<1024x512xf32, #tpu.memory_space<hbm>>
          %dma_start3A_109 = arith.constant 1024 : i32
          %dma_start3A_110 = arith.constant 0 : i32
          %dma_start3A_111 = tpu.memref_slice %arg4[%dma_start3A_109, %dma_start3A_110] : memref<3072x512xf32, #tpu.memory_space<vmem_shared>> -> memref<1024x512xf32, #tpu.memory_space<vmem_shared>>
          tpu.enqueue_dma source(%dma_start3A_111 : memref<1024x512xf32, #tpu.memory_space<vmem_shared>>) target(%dma_start3A_108 : memref<1024x512xf32, #tpu.memory_space<hbm>>) target_semaphore(%run_scoped3A : memref<!tpu.dma_semaphore, #tpu.memory_space<semaphore_mem>>)
          %dma_wait3A = arith.constant 0 : i32
          %dma_wait3A_112 = arith.constant 0 : i32
          %dma_wait3A_113 = tpu.memref_slice %arg3[%add3A_77, %dma_wait3A, %dma_wait3A_112] : memref<291x2048x512xf32, #tpu.memory_space<hbm>> -> memref<1x1024x512xf32, #tpu.memory_space<hbm>>
          %dma_wait3A_114 = tpu.memref_squeeze %dma_wait3A_113 : memref<1x1024x512xf32, #tpu.memory_space<hbm>> -> memref<1024x512xf32, #tpu.memory_space<hbm>>
          %dma_wait3A_115 = arith.constant 1024 : i32
          %dma_wait3A_116 = arith.constant 0 : i32
          %dma_wait3A_117 = tpu.memref_slice %arg4[%dma_wait3A_115, %dma_wait3A_116] : memref<3072x512xf32, #tpu.memory_space<vmem_shared>> -> memref<1024x512xf32, #tpu.memory_space<vmem_shared>>
          tpu.wait_dma2 semaphore(%run_scoped3A : memref<!tpu.dma_semaphore, #tpu.memory_space<semaphore_mem>>) src(%dma_wait3A_117 : memref<1024x512xf32, #tpu.memory_space<vmem_shared>>) dst(%dma_wait3A_114 : memref<1024x512xf32, #tpu.memory_space<hbm>>)
          tpu.yield
        }) : () -> ()
        "tpu.region"() ({
          %run_scoped3A = tpu.sem_alloc : memref<!tpu.dma_semaphore, #tpu.memory_space<semaphore_mem>>
          %dma_start3A = arith.constant 1024 : i32
          %dma_start3A_106 = arith.constant 0 : i32
          %dma_start3A_107 = tpu.memref_slice %arg3[%add3A_77, %dma_start3A, %dma_start3A_106] : memref<291x2048x512xf32, #tpu.memory_space<hbm>> -> memref<1x1024x512xf32, #tpu.memory_space<hbm>>
          %dma_start3A_108 = tpu.memref_squeeze %dma_start3A_107 : memref<1x1024x512xf32, #tpu.memory_space<hbm>> -> memref<1024x512xf32, #tpu.memory_space<hbm>>
          %dma_start3A_109 = arith.constant 2048 : i32
          %dma_start3A_110 = arith.constant 0 : i32
          %dma_start3A_111 = tpu.memref_slice %arg4[%dma_start3A_109, %dma_start3A_110] : memref<3072x512xf32, #tpu.memory_space<vmem_shared>> -> memref<1024x512xf32, #tpu.memory_space<vmem_shared>>
          tpu.enqueue_dma source(%dma_start3A_111 : memref<1024x512xf32, #tpu.memory_space<vmem_shared>>) target(%dma_start3A_108 : memref<1024x512xf32, #tpu.memory_space<hbm>>) target_semaphore(%run_scoped3A : memref<!tpu.dma_semaphore, #tpu.memory_space<semaphore_mem>>)
          %dma_wait3A = arith.constant 1024 : i32
          %dma_wait3A_112 = arith.constant 0 : i32
          %dma_wait3A_113 = tpu.memref_slice %arg3[%add3A_77, %dma_wait3A, %dma_wait3A_112] : memref<291x2048x512xf32, #tpu.memory_space<hbm>> -> memref<1x1024x512xf32, #tpu.memory_space<hbm>>
          %dma_wait3A_114 = tpu.memref_squeeze %dma_wait3A_113 : memref<1x1024x512xf32, #tpu.memory_space<hbm>> -> memref<1024x512xf32, #tpu.memory_space<hbm>>
          %dma_wait3A_115 = arith.constant 2048 : i32
          %dma_wait3A_116 = arith.constant 0 : i32
          %dma_wait3A_117 = tpu.memref_slice %arg4[%dma_wait3A_115, %dma_wait3A_116] : memref<3072x512xf32, #tpu.memory_space<vmem_shared>> -> memref<1024x512xf32, #tpu.memory_space<vmem_shared>>
          tpu.wait_dma2 semaphore(%run_scoped3A : memref<!tpu.dma_semaphore, #tpu.memory_space<semaphore_mem>>) src(%dma_wait3A_117 : memref<1024x512xf32, #tpu.memory_space<vmem_shared>>) dst(%dma_wait3A_114 : memref<1024x512xf32, #tpu.memory_space<hbm>>)
          tpu.yield
        }) : () -> ()
      } else {
      }
      %add3A_83 = arith.constant 152 : i32
      %add3A_84 = arith.addi %add3A_83, %arg1 : i32
      %add3A_85 = arith.constant 112 : i32
      %add3A_86 = arith.addi %add3A_84, %add3A_85 : i32
      %lt3A_87 = arith.constant 291 : i32
      %lt3A_88 = arith.cmpi slt, %add3A_86, %lt3A_87 : i32
      %convert_element_type3A_89 = arith.extui %lt3A_88 : i1 to i32
      %cond3A_90 = arith.constant 0 : i32
      %cond3A_91 = arith.cmpi ne, %convert_element_type3A_89, %cond3A_90 : i32
      scf.if %cond3A_91 {
        "tpu.region"() ({
          %run_scoped3A = tpu.sem_alloc : memref<!tpu.dma_semaphore, #tpu.memory_space<semaphore_mem>>
          %dma_start3A = arith.constant 0 : i32
          %dma_start3A_106 = arith.constant 0 : i32
          %dma_start3A_107 = tpu.memref_slice %arg3[%add3A_86, %dma_start3A, %dma_start3A_106] : memref<291x2048x512xf32, #tpu.memory_space<hbm>> -> memref<1x1024x512xf32, #tpu.memory_space<hbm>>
          %dma_start3A_108 = tpu.memref_squeeze %dma_start3A_107 : memref<1x1024x512xf32, #tpu.memory_space<hbm>> -> memref<1024x512xf32, #tpu.memory_space<hbm>>
          %dma_start3A_109 = arith.constant 1024 : i32
          %dma_start3A_110 = arith.constant 0 : i32
          %dma_start3A_111 = tpu.memref_slice %arg4[%dma_start3A_109, %dma_start3A_110] : memref<3072x512xf32, #tpu.memory_space<vmem_shared>> -> memref<1024x512xf32, #tpu.memory_space<vmem_shared>>
          tpu.enqueue_dma source(%dma_start3A_111 : memref<1024x512xf32, #tpu.memory_space<vmem_shared>>) target(%dma_start3A_108 : memref<1024x512xf32, #tpu.memory_space<hbm>>) target_semaphore(%run_scoped3A : memref<!tpu.dma_semaphore, #tpu.memory_space<semaphore_mem>>)
          %dma_wait3A = arith.constant 0 : i32
          %dma_wait3A_112 = arith.constant 0 : i32
          %dma_wait3A_113 = tpu.memref_slice %arg3[%add3A_86, %dma_wait3A, %dma_wait3A_112] : memref<291x2048x512xf32, #tpu.memory_space<hbm>> -> memref<1x1024x512xf32, #tpu.memory_space<hbm>>
          %dma_wait3A_114 = tpu.memref_squeeze %dma_wait3A_113 : memref<1x1024x512xf32, #tpu.memory_space<hbm>> -> memref<1024x512xf32, #tpu.memory_space<hbm>>
          %dma_wait3A_115 = arith.constant 1024 : i32
          %dma_wait3A_116 = arith.constant 0 : i32
          %dma_wait3A_117 = tpu.memref_slice %arg4[%dma_wait3A_115, %dma_wait3A_116] : memref<3072x512xf32, #tpu.memory_space<vmem_shared>> -> memref<1024x512xf32, #tpu.memory_space<vmem_shared>>
          tpu.wait_dma2 semaphore(%run_scoped3A : memref<!tpu.dma_semaphore, #tpu.memory_space<semaphore_mem>>) src(%dma_wait3A_117 : memref<1024x512xf32, #tpu.memory_space<vmem_shared>>) dst(%dma_wait3A_114 : memref<1024x512xf32, #tpu.memory_space<hbm>>)
          tpu.yield
        }) : () -> ()
        "tpu.region"() ({
          %run_scoped3A = tpu.sem_alloc : memref<!tpu.dma_semaphore, #tpu.memory_space<semaphore_mem>>
          %dma_start3A = arith.constant 1024 : i32
          %dma_start3A_106 = arith.constant 0 : i32
          %dma_start3A_107 = tpu.memref_slice %arg3[%add3A_86, %dma_start3A, %dma_start3A_106] : memref<291x2048x512xf32, #tpu.memory_space<hbm>> -> memref<1x1024x512xf32, #tpu.memory_space<hbm>>
          %dma_start3A_108 = tpu.memref_squeeze %dma_start3A_107 : memref<1x1024x512xf32, #tpu.memory_space<hbm>> -> memref<1024x512xf32, #tpu.memory_space<hbm>>
          %dma_start3A_109 = arith.constant 2048 : i32
          %dma_start3A_110 = arith.constant 0 : i32
          %dma_start3A_111 = tpu.memref_slice %arg4[%dma_start3A_109, %dma_start3A_110] : memref<3072x512xf32, #tpu.memory_space<vmem_shared>> -> memref<1024x512xf32, #tpu.memory_space<vmem_shared>>
          tpu.enqueue_dma source(%dma_start3A_111 : memref<1024x512xf32, #tpu.memory_space<vmem_shared>>) target(%dma_start3A_108 : memref<1024x512xf32, #tpu.memory_space<hbm>>) target_semaphore(%run_scoped3A : memref<!tpu.dma_semaphore, #tpu.memory_space<semaphore_mem>>)
          %dma_wait3A = arith.constant 1024 : i32
          %dma_wait3A_112 = arith.constant 0 : i32
          %dma_wait3A_113 = tpu.memref_slice %arg3[%add3A_86, %dma_wait3A, %dma_wait3A_112] : memref<291x2048x512xf32, #tpu.memory_space<hbm>> -> memref<1x1024x512xf32, #tpu.memory_space<hbm>>
          %dma_wait3A_114 = tpu.memref_squeeze %dma_wait3A_113 : memref<1x1024x512xf32, #tpu.memory_space<hbm>> -> memref<1024x512xf32, #tpu.memory_space<hbm>>
          %dma_wait3A_115 = arith.constant 2048 : i32
          %dma_wait3A_116 = arith.constant 0 : i32
          %dma_wait3A_117 = tpu.memref_slice %arg4[%dma_wait3A_115, %dma_wait3A_116] : memref<3072x512xf32, #tpu.memory_space<vmem_shared>> -> memref<1024x512xf32, #tpu.memory_space<vmem_shared>>
          tpu.wait_dma2 semaphore(%run_scoped3A : memref<!tpu.dma_semaphore, #tpu.memory_space<semaphore_mem>>) src(%dma_wait3A_117 : memref<1024x512xf32, #tpu.memory_space<vmem_shared>>) dst(%dma_wait3A_114 : memref<1024x512xf32, #tpu.memory_space<hbm>>)
          tpu.yield
        }) : () -> ()
      } else {
      }
      %add3A_92 = arith.constant 152 : i32
      %add3A_93 = arith.addi %add3A_92, %arg1 : i32
      %add3A_94 = arith.constant 128 : i32
      %add3A_95 = arith.addi %add3A_93, %add3A_94 : i32
      %lt3A_96 = arith.constant 291 : i32
      %lt3A_97 = arith.cmpi slt, %add3A_95, %lt3A_96 : i32
      %convert_element_type3A_98 = arith.extui %lt3A_97 : i1 to i32
      %cond3A_99 = arith.constant 0 : i32
      %cond3A_100 = arith.cmpi ne, %convert_element_type3A_98, %cond3A_99 : i32
      scf.if %cond3A_100 {
        "tpu.region"() ({
          %run_scoped3A = tpu.sem_alloc : memref<!tpu.dma_semaphore, #tpu.memory_space<semaphore_mem>>
          %dma_start3A = arith.constant 0 : i32
          %dma_start3A_106 = arith.constant 0 : i32
          %dma_start3A_107 = tpu.memref_slice %arg3[%add3A_95, %dma_start3A, %dma_start3A_106] : memref<291x2048x512xf32, #tpu.memory_space<hbm>> -> memref<1x1024x512xf32, #tpu.memory_space<hbm>>
          %dma_start3A_108 = tpu.memref_squeeze %dma_start3A_107 : memref<1x1024x512xf32, #tpu.memory_space<hbm>> -> memref<1024x512xf32, #tpu.memory_space<hbm>>
          %dma_start3A_109 = arith.constant 1024 : i32
          %dma_start3A_110 = arith.constant 0 : i32
          %dma_start3A_111 = tpu.memref_slice %arg4[%dma_start3A_109, %dma_start3A_110] : memref<3072x512xf32, #tpu.memory_space<vmem_shared>> -> memref<1024x512xf32, #tpu.memory_space<vmem_shared>>
          tpu.enqueue_dma source(%dma_start3A_111 : memref<1024x512xf32, #tpu.memory_space<vmem_shared>>) target(%dma_start3A_108 : memref<1024x512xf32, #tpu.memory_space<hbm>>) target_semaphore(%run_scoped3A : memref<!tpu.dma_semaphore, #tpu.memory_space<semaphore_mem>>)
          %dma_wait3A = arith.constant 0 : i32
          %dma_wait3A_112 = arith.constant 0 : i32
          %dma_wait3A_113 = tpu.memref_slice %arg3[%add3A_95, %dma_wait3A, %dma_wait3A_112] : memref<291x2048x512xf32, #tpu.memory_space<hbm>> -> memref<1x1024x512xf32, #tpu.memory_space<hbm>>
          %dma_wait3A_114 = tpu.memref_squeeze %dma_wait3A_113 : memref<1x1024x512xf32, #tpu.memory_space<hbm>> -> memref<1024x512xf32, #tpu.memory_space<hbm>>
          %dma_wait3A_115 = arith.constant 1024 : i32
          %dma_wait3A_116 = arith.constant 0 : i32
          %dma_wait3A_117 = tpu.memref_slice %arg4[%dma_wait3A_115, %dma_wait3A_116] : memref<3072x512xf32, #tpu.memory_space<vmem_shared>> -> memref<1024x512xf32, #tpu.memory_space<vmem_shared>>
          tpu.wait_dma2 semaphore(%run_scoped3A : memref<!tpu.dma_semaphore, #tpu.memory_space<semaphore_mem>>) src(%dma_wait3A_117 : memref<1024x512xf32, #tpu.memory_space<vmem_shared>>) dst(%dma_wait3A_114 : memref<1024x512xf32, #tpu.memory_space<hbm>>)
          tpu.yield
        }) : () -> ()
        "tpu.region"() ({
          %run_scoped3A = tpu.sem_alloc : memref<!tpu.dma_semaphore, #tpu.memory_space<semaphore_mem>>
          %dma_start3A = arith.constant 1024 : i32
          %dma_start3A_106 = arith.constant 0 : i32
          %dma_start3A_107 = tpu.memref_slice %arg3[%add3A_95, %dma_start3A, %dma_start3A_106] : memref<291x2048x512xf32, #tpu.memory_space<hbm>> -> memref<1x1024x512xf32, #tpu.memory_space<hbm>>
          %dma_start3A_108 = tpu.memref_squeeze %dma_start3A_107 : memref<1x1024x512xf32, #tpu.memory_space<hbm>> -> memref<1024x512xf32, #tpu.memory_space<hbm>>
          %dma_start3A_109 = arith.constant 2048 : i32
          %dma_start3A_110 = arith.constant 0 : i32
          %dma_start3A_111 = tpu.memref_slice %arg4[%dma_start3A_109, %dma_start3A_110] : memref<3072x512xf32, #tpu.memory_space<vmem_shared>> -> memref<1024x512xf32, #tpu.memory_space<vmem_shared>>
          tpu.enqueue_dma source(%dma_start3A_111 : memref<1024x512xf32, #tpu.memory_space<vmem_shared>>) target(%dma_start3A_108 : memref<1024x512xf32, #tpu.memory_space<hbm>>) target_semaphore(%run_scoped3A : memref<!tpu.dma_semaphore, #tpu.memory_space<semaphore_mem>>)
          %dma_wait3A = arith.constant 1024 : i32
          %dma_wait3A_112 = arith.constant 0 : i32
          %dma_wait3A_113 = tpu.memref_slice %arg3[%add3A_95, %dma_wait3A, %dma_wait3A_112] : memref<291x2048x512xf32, #tpu.memory_space<hbm>> -> memref<1x1024x512xf32, #tpu.memory_space<hbm>>
          %dma_wait3A_114 = tpu.memref_squeeze %dma_wait3A_113 : memref<1x1024x512xf32, #tpu.memory_space<hbm>> -> memref<1024x512xf32, #tpu.memory_space<hbm>>
          %dma_wait3A_115 = arith.constant 2048 : i32
          %dma_wait3A_116 = arith.constant 0 : i32
          %dma_wait3A_117 = tpu.memref_slice %arg4[%dma_wait3A_115, %dma_wait3A_116] : memref<3072x512xf32, #tpu.memory_space<vmem_shared>> -> memref<1024x512xf32, #tpu.memory_space<vmem_shared>>
          tpu.wait_dma2 semaphore(%run_scoped3A : memref<!tpu.dma_semaphore, #tpu.memory_space<semaphore_mem>>) src(%dma_wait3A_117 : memref<1024x512xf32, #tpu.memory_space<vmem_shared>>) dst(%dma_wait3A_114 : memref<1024x512xf32, #tpu.memory_space<hbm>>)
          tpu.yield
        }) : () -> ()
      } else {
      }
      %lt3A_101 = arith.constant 12 : i32
      %lt3A_102 = arith.cmpi slt, %arg1, %lt3A_101 : i32
      %convert_element_type3A_103 = arith.extui %lt3A_102 : i1 to i32
      %cond3A_104 = arith.constant 0 : i32
      %cond3A_105 = arith.cmpi ne, %convert_element_type3A_103, %cond3A_104 : i32
      scf.if %cond3A_105 {
        %jit3A = arith.constant 2 : i32
        %div3A = arith.divsi %arg1, %jit3A : i32
        %sign3A = arith.constant 0 : i32
        %sign3A_106 = arith.cmpi sgt, %arg1, %sign3A : i32
        %sign3A_107 = arith.extui %sign3A_106 : i1 to i32
        %sign3A_108 = arith.constant 0 : i32
        %sign3A_109 = arith.cmpi slt, %arg1, %sign3A_108 : i32
        %sign3A_110 = arith.extui %sign3A_109 : i1 to i32
        %sign3A_111 = arith.subi %sign3A_107, %sign3A_110 : i32
        %sign3A_112 = arith.constant 0 : i32
        %sign3A_113 = arith.cmpi sgt, %jit3A, %sign3A_112 : i32
        %sign3A_114 = arith.extui %sign3A_113 : i1 to i32
        %sign3A_115 = arith.constant 0 : i32
        %sign3A_116 = arith.cmpi slt, %jit3A, %sign3A_115 : i32
        %sign3A_117 = arith.extui %sign3A_116 : i1 to i32
        %sign3A_118 = arith.subi %sign3A_114, %sign3A_117 : i32
        %ne3A = arith.cmpi ne, %sign3A_111, %sign3A_118 : i32
        %rem3A = arith.remsi %arg1, %jit3A : i32
        %ne3A_119 = arith.constant 0 : i32
        %ne3A_120 = arith.cmpi ne, %rem3A, %ne3A_119 : i32
        %and3A_121 = arith.andi %ne3A, %ne3A_120 : i1
        %sub3A = arith.constant 1 : i32
        %sub3A_122 = arith.subi %div3A, %sub3A : i32
        %select_n3A = arith.select %and3A_121, %sub3A_122, %div3A : i32
        %add3A_123 = arith.constant 146 : i32
        %add3A_124 = arith.addi %add3A_123, %select_n3A : i32
        %jit3A_125 = arith.constant 2 : i32
        %eq3A_126 = arith.constant 0 : i32
        %eq3A_127 = arith.cmpi eq, %jit3A_125, %eq3A_126 : i32
        %jit3A_128 = arith.constant 1 : i32
        %select_n3A_129 = arith.select %eq3A_127, %jit3A_128, %jit3A_125 : i32
        %rem3A_130 = arith.remsi %arg1, %select_n3A_129 : i32
        %ne3A_131 = arith.constant 0 : i32
        %ne3A_132 = arith.cmpi ne, %rem3A_130, %ne3A_131 : i32
        %lt3A_133 = arith.constant 0 : i32
        %lt3A_134 = arith.cmpi slt, %rem3A_130, %lt3A_133 : i32
        %lt3A_135 = arith.constant 0 : i32
        %lt3A_136 = arith.cmpi slt, %select_n3A_129, %lt3A_135 : i32
        %ne3A_137 = arith.xori %lt3A_134, %lt3A_136 : i1
        %and3A_138 = arith.andi %ne3A_137, %ne3A_132 : i1
        %add3A_139 = arith.addi %rem3A_130, %select_n3A_129 : i32
        %select_n3A_140 = arith.select %and3A_138, %add3A_139, %rem3A_130 : i32
        %mul3A = arith.constant 1024 : i32
        %mul3A_141 = arith.muli %select_n3A_140, %mul3A : i32
        "tpu.region"() ({
          %run_scoped3A = tpu.sem_alloc : memref<!tpu.dma_semaphore, #tpu.memory_space<semaphore_mem>>
          %dma_start3A = arith.constant 0 : i32
          %dma_start3A_142 = tpu.memref_slice %arg3[%add3A_124, %mul3A_141, %dma_start3A] : memref<291x2048x512xf32, #tpu.memory_space<hbm>> -> memref<1x1024x512xf32, #tpu.memory_space<hbm>>
          %dma_start3A_143 = tpu.memref_squeeze %dma_start3A_142 : memref<1x1024x512xf32, #tpu.memory_space<hbm>> -> memref<1024x512xf32, #tpu.memory_space<hbm>>
          %dma_start3A_144 = arith.constant 0 : i32
          %dma_start3A_145 = arith.constant 0 : i32
          %dma_start3A_146 = tpu.memref_slice %arg4[%dma_start3A_144, %dma_start3A_145] : memref<3072x512xf32, #tpu.memory_space<vmem_shared>> -> memref<1024x512xf32, #tpu.memory_space<vmem_shared>>
          tpu.enqueue_dma source(%dma_start3A_146 : memref<1024x512xf32, #tpu.memory_space<vmem_shared>>) target(%dma_start3A_143 : memref<1024x512xf32, #tpu.memory_space<hbm>>) target_semaphore(%run_scoped3A : memref<!tpu.dma_semaphore, #tpu.memory_space<semaphore_mem>>)
          %dma_wait3A = arith.constant 0 : i32
          %dma_wait3A_147 = tpu.memref_slice %arg3[%add3A_124, %mul3A_141, %dma_wait3A] : memref<291x2048x512xf32, #tpu.memory_space<hbm>> -> memref<1x1024x512xf32, #tpu.memory_space<hbm>>
          %dma_wait3A_148 = tpu.memref_squeeze %dma_wait3A_147 : memref<1x1024x512xf32, #tpu.memory_space<hbm>> -> memref<1024x512xf32, #tpu.memory_space<hbm>>
          %dma_wait3A_149 = arith.constant 0 : i32
          %dma_wait3A_150 = arith.constant 0 : i32
          %dma_wait3A_151 = tpu.memref_slice %arg4[%dma_wait3A_149, %dma_wait3A_150] : memref<3072x512xf32, #tpu.memory_space<vmem_shared>> -> memref<1024x512xf32, #tpu.memory_space<vmem_shared>>
          tpu.wait_dma2 semaphore(%run_scoped3A : memref<!tpu.dma_semaphore, #tpu.memory_space<semaphore_mem>>) src(%dma_wait3A_151 : memref<1024x512xf32, #tpu.memory_space<vmem_shared>>) dst(%dma_wait3A_148 : memref<1024x512xf32, #tpu.memory_space<hbm>>)
          tpu.yield
        }) : () -> ()
      } else {
      }
    } else {
    }
    return
  }
}

module attributes {stable_mosaic.version = 14 : i64} {
  func.func @_mlp_planes_body(%arg0: memref<2x128xf32, #tpu.memory_space<vmem>>, %arg1: memref<512x128xf32, #tpu.memory_space<vmem>>, %arg2: memref<1x512xf32, #tpu.memory_space<vmem>>, %arg3: memref<1x512xf32, #tpu.memory_space<vmem>>, %arg4: memref<1x512xf32, #tpu.memory_space<vmem>>, %arg5: memref<512x512xf32, #tpu.memory_space<vmem>>, %arg6: memref<1x512xf32, #tpu.memory_space<vmem>>, %arg7: memref<2x2048x512xf32, #tpu.memory_space<vmem>>) attributes {dimension_semantics = [], scalar_prefetch = 0 : i64, scratch_operands = 0 : i64, tpu.core_type = #tpu.core_type<tc>} {
    %get3A = arith.constant 0 : index
    %get3A_0 = arith.constant 0 : index
    %get3A_1 = vector.load %arg0[%get3A, %get3A_0] : memref<2x128xf32, #tpu.memory_space<vmem>>, vector<2x128xf32>
    %get3A_2 = arith.constant 0 : index
    %get3A_3 = arith.constant 0 : index
    %get3A_4 = vector.load %arg1[%get3A_2, %get3A_3] : memref<512x128xf32, #tpu.memory_space<vmem>>, vector<512x128xf32>
    %dot_general3A = arith.constant dense<0.000000e+00> : vector<2x512xf32>
    %dot_general3A_5 = tpu.matmul %get3A_1, %get3A_4, %dot_general3A {dimension_numbers = #tpu.dot_dimension_numbers<[1], [1], [0], [0], [0, 0, 1, 0], [], []>, transpose_lhs_hint = false} : vector<2x128xf32>, vector<512x128xf32>, vector<2x512xf32> -> vector<2x512xf32>
    %get3A_6 = arith.constant 0 : index
    %get3A_7 = arith.constant 0 : index
    %get3A_8 = vector.load %arg2[%get3A_6, %get3A_7] : memref<1x512xf32, #tpu.memory_space<vmem>>, vector<1x512xf32>
    %add3A = vector.broadcast %get3A_8 : vector<1x512xf32> to vector<2x512xf32>
    %add3A_9 = arith.addf %dot_general3A_5, %add3A : vector<2x512xf32>
    %reduce_sum3A = arith.constant dense<0.000000e+00> : vector<2xf32>
    %reduce_sum3A_10 = vector.multi_reduction <add>, %add3A_9, %reduce_sum3A [1] : vector<2x512xf32> to vector<2xf32>
    %broadcast_in_dim3A = vector.shape_cast %reduce_sum3A_10 : vector<2xf32> to vector<2x1xf32>
    %div3A = arith.constant 5.120000e+02 : f32
    %div3A_11 = vector.broadcast %div3A : f32 to vector<2x1xf32>
    %div3A_12 = arith.divf %broadcast_in_dim3A, %div3A_11 : vector<2x1xf32>
    %sub3A = vector.broadcast %div3A_12 : vector<2x1xf32> to vector<2x512xf32>
    %sub3A_13 = arith.subf %add3A_9, %sub3A : vector<2x512xf32>
    %integer_pow3A = arith.mulf %sub3A_13, %sub3A_13 : vector<2x512xf32>
    %reduce_sum3A_14 = arith.constant dense<0.000000e+00> : vector<2xf32>
    %reduce_sum3A_15 = vector.multi_reduction <add>, %integer_pow3A, %reduce_sum3A_14 [1] : vector<2x512xf32> to vector<2xf32>
    %broadcast_in_dim3A_16 = vector.shape_cast %reduce_sum3A_15 : vector<2xf32> to vector<2x1xf32>
    %div3A_17 = arith.constant 5.120000e+02 : f32
    %div3A_18 = vector.broadcast %div3A_17 : f32 to vector<2x1xf32>
    %div3A_19 = arith.divf %broadcast_in_dim3A_16, %div3A_18 : vector<2x1xf32>
    %sub3A_20 = vector.broadcast %div3A_12 : vector<2x1xf32> to vector<2x512xf32>
    %sub3A_21 = arith.subf %add3A_9, %sub3A_20 : vector<2x512xf32>
    %add3A_22 = arith.constant 9.99999974E-6 : f32
    %add3A_23 = vector.broadcast %add3A_22 : f32 to vector<2x1xf32>
    %add3A_24 = arith.addf %div3A_19, %add3A_23 : vector<2x1xf32>
    %sqrt3A = math.sqrt %add3A_24 : vector<2x1xf32>
    %div3A_25 = vector.broadcast %sqrt3A : vector<2x1xf32> to vector<2x512xf32>
    %div3A_26 = arith.divf %sub3A_21, %div3A_25 : vector<2x512xf32>
    %get3A_27 = arith.constant 0 : index
    %get3A_28 = arith.constant 0 : index
    %get3A_29 = vector.load %arg3[%get3A_27, %get3A_28] : memref<1x512xf32, #tpu.memory_space<vmem>>, vector<1x512xf32>
    %mul3A = vector.broadcast %get3A_29 : vector<1x512xf32> to vector<2x512xf32>
    %mul3A_30 = arith.mulf %div3A_26, %mul3A : vector<2x512xf32>
    %get3A_31 = arith.constant 0 : index
    %get3A_32 = arith.constant 0 : index
    %get3A_33 = vector.load %arg4[%get3A_31, %get3A_32] : memref<1x512xf32, #tpu.memory_space<vmem>>, vector<1x512xf32>
    %add3A_34 = vector.broadcast %get3A_33 : vector<1x512xf32> to vector<2x512xf32>
    %add3A_35 = arith.addf %mul3A_30, %add3A_34 : vector<2x512xf32>
    %max3A = arith.constant 0.000000e+00 : f32
    %max3A_36 = vector.broadcast %max3A : f32 to vector<2x512xf32>
    %max3A_37 = arith.maximumf %add3A_35, %max3A_36 : vector<2x512xf32>
    %get3A_38 = arith.constant 0 : index
    %get3A_39 = arith.constant 0 : index
    %get3A_40 = vector.load %arg5[%get3A_38, %get3A_39] : memref<512x512xf32, #tpu.memory_space<vmem>>, vector<512x512xf32>
    %dot_general3A_41 = arith.constant dense<0.000000e+00> : vector<2x512xf32>
    %dot_general3A_42 = tpu.matmul %max3A_37, %get3A_40, %dot_general3A_41 {dimension_numbers = #tpu.dot_dimension_numbers<[1], [1], [0], [0], [0, 0, 1, 0], [], []>, transpose_lhs_hint = false} : vector<2x512xf32>, vector<512x512xf32>, vector<2x512xf32> -> vector<2x512xf32>
    %get3A_43 = arith.constant 0 : index
    %get3A_44 = arith.constant 0 : index
    %get3A_45 = vector.load %arg6[%get3A_43, %get3A_44] : memref<1x512xf32, #tpu.memory_space<vmem>>, vector<1x512xf32>
    %add3A_46 = vector.broadcast %get3A_45 : vector<1x512xf32> to vector<2x512xf32>
    %add3A_47 = arith.addf %dot_general3A_42, %add3A_46 : vector<2x512xf32>
    %broadcast_in_dim3A_48 = vector.shape_cast %add3A_47 : vector<2x512xf32> to vector<2x1x512xf32>
    %broadcast_in_dim3A_49 = vector.shape_cast %broadcast_in_dim3A_48 : vector<2x1x512xf32> to vector<2x1x512xf32>
    %broadcast_in_dim3A_50 = vector.broadcast %broadcast_in_dim3A_49 : vector<2x1x512xf32> to vector<2x2048x512xf32>
    %swap3A = arith.constant 0 : index
    %swap3A_51 = arith.constant 0 : index
    %swap3A_52 = arith.constant 0 : index
    %swap3A_53 = vector.load %arg7[%swap3A, %swap3A_51, %swap3A_52] : memref<2x2048x512xf32, #tpu.memory_space<vmem>>, vector<2x2048x512xf32>
    tpu.vector_store %arg7[%swap3A, %swap3A_51, %swap3A_52], %broadcast_in_dim3A_50 {strides = array<i32>} : memref<2x2048x512xf32, #tpu.memory_space<vmem>>, vector<2x2048x512xf32>,
    return
  }
}

</mosaic_0001>

<sc_bundles>
// kernel: kernel.4.cloned.1.call-start
scs
__scs_entry_jumppad:
0x0: {  	(pc) =	sbr.rel $0x88, $3  }
0x1: {  	(tag) =	ssettag $0x0;
	lr =	simm.s32 $0x1  }
0x2: {  	[smem:$0x3F9A] =	sst lr;
	_ =	strace $0xD0000000  }
0x3: {  	_ = 	snop  }
0x4: {  	_ = 	snop  }
0x5: {  	_ = 	snop  }
0x6: {  	_ = 	snop  }
0x7: {  	_ = 	snop  }
__scs_overlays_trampoline_lowered:
0x8: {  	[smem:$0x3FA9] =	sst s0  }
0x9: {  	[smem:$0x3FAA] =	sst s1  }
0xa: {  	[smem:$0x3FAB] =	sst s2  }
0xb: {  	[smem:$0x3FAC] =	sst s3  }
0xc: {  	[smem:$0x3FAD] =	sst s4  }
0xd: {  	[smem:$0x3FAE] =	sst s5  }
0xe: {  	[smem:$0x3FAF] =	sst s6  }
0xf: {  	[smem:$0x3FB0] =	sst s7  }
0x10: {  	[smem:$0x3FB1] =	sst s8  }
0x11: {  	[smem:$0x3FB2] =	sst s9;
	s0 =	simm.s32 @!p0 $0x0  }
0x12: {  	s1 =	sld [smem:$0x3F98];
	s0 =	simm.s32 @p0 $0x1  }
0x13: {  	[smem:$0x3FB3] =	sst s0;
	s0 =	simm.s32 @!p1 $0x0  }
0x14: {  	s2 =	sld [smem:$0x3F97];
	s0 =	simm.s32 @p1 $0x1  }
0x15: {  	[smem:$0x3FB4] =	sst s0;
	s0 =	simm.s32 @!p2 $0x0  }
0x16: {  	s3 =	sld [smem:$0x3FDB];
	s0 =	simm.s32 @p2 $0x1  }
0x17: {  	s4 =	simm.s32 $0x1BF5;
	[smem:$0x3FB6] =	sst s0  }
0x18: {  	s0 =	sld [smem:$0x3F99];
	_ =	swait.ge [sflag:s4], $0x0  }
0x19: {  	s7 =	sld [smem:$0x3F9A]  }
0x1a: {  	s8 =	sadd.s32 $0xFFFFE003, lr  }
0x1b: {  	s9 =	sadd.s32 $0xFFFFFEF7, lr;
	s5 =	simm.s32 $0xFFFFFFFF;
	p2 =	slt.u32 s8, $0xFFFFF086  }
0x1c: {  	p1 =	slt.u32 s9, $0xF7A;
	s5 =	simm.s32 @!p2 $0x0  }
0x1d: {  	s5 =	simm.s32 @p1 $0x1;
	p0 =	seq.s32 s7, s2  }
0x1e: {  	s7 =	smul.u32 @!p0 $0xF7A, s2;
	p2 =	seq.s32 @!p0 s5, $0x0  }
0x1f: {  	s9 =	smul.u32 $0xF7A, s1;
	s8 =	simm.s32 @!p0 $0x1BF5;
	p2 =	por !p2, p0  }
0x20: {  	[sflag:s8] =	ssyncset.s32 @!p0 $0xFFFFF086;
	s6 =	sadd.s32 @!p0 s3, s7;
	s7 =	simm.s32 @!p0 $0x108  }
0x21: {  	s3 =	sadd.s32 s3, s9;
	s6 =	sadd.s32 @!p0 $0x88, s6;
	s7 =	simm.s32 @p2 $0x1082  }
0x22: {  	[simem:s7], [sflag:s8] =	dma.local @!p0 [hbm:s6], $0xF7A  }
0x23: {  	s9 =	sor.u32 $0xD0000000, s2;
	s6 =	simm.s32 $0x108;
	_ =	swait.ge @!p0 [sflag:s8], $0x0  }
0x24: {  	s3 =	sadd.s32 $0x88, s3;
	s6 =	simm.s32 @!p1 $0x1082;
	[sflag:s4] =	ssyncset.s32 $0xFFFFF086  }
0x25: {  	[simem:s6], [sflag:s4] =	dma.local [hbm:s3], $0xF7A  }
0x26: {  	[smem:$0x3F9A] =	sst s1;
	(tag) =	ssettag s2;
	_ =	strace s9  }
0x27: {  	s1 =	sld [smem:$0x3FAA]  }
0x28: {  	s2 =	sld [smem:$0x3FAB]  }
0x29: {  	s4 =	sld [smem:$0x3FAD]  }
0x2a: {  	p0 =	seq.s32 s5, $0x0;
	s5 =	sld [smem:$0x3FAE]  }
0x2b: {  	s6 =	sld [smem:$0x3FAF]  }
0x2c: {  	s7 =	sld [smem:$0x3FB0]  }
0x2d: {  	s3 =	simm.s32 $0x108;
	s8 =	sld [smem:$0x3FB1]  }
0x2e: {  	s3 =	simm.s32 @!p0 $0x1082;
	s9 =	sld [smem:$0x3FB2]  }
0x2f: {  	lr =	sadd.s32 s0, s3;
	s0 =	sld [smem:$0x3FA9]  }
0x30: {  	s3 =	sld [smem:$0x3FAC]  }
0x31: {  	[smem:$0x3FB5] =	sst s10  }
0x32: {  	s10 =	sld [smem:$0x3FB3];
	_ =	sdelay $0x3  }
0x33: {  	p0 =	seq.s32 s10, $0x1;
	s10 =	sld [smem:$0x3FB5];
	_ =	sdelay $0x3  }
0x34: {  	[smem:$0x3FB5] =	sst s10  }
0x35: {  	s10 =	sld [smem:$0x3FB4];
	_ =	sdelay $0x3  }
0x36: {  	p1 =	seq.s32 s10, $0x1;
	s10 =	sld [smem:$0x3FB5];
	_ =	sdelay $0x3  }
0x37: {  	[smem:$0x3FB5] =	sst s10  }
0x38: {  	s10 =	sld [smem:$0x3FB6]  }
0x39: {  	_ = 	snop;
	(pc) =	sbr.ind lr, $3  }
0x3a: {  	_ = 	snop  }
0x3b: {  	_ = 	snop  }
0x3c: {  	p2 =	seq.s32 s10, $0x1;
	s10 =	sld [smem:$0x3FB5]  }
0x3d: {  	_ =	shalt  }
0x3e: {  	_ =	shalt  }
0x3f: {  	_ =	shalt  }
0x40: {  	_ =	shalt  }
0x41: {  	_ =	shalt  }
0x42: {  	_ =	shalt  }
0x43: {  	_ =	shalt  }
0x44: {  	_ =	shalt  }
0x45: {  	_ =	shalt  }
0x46: {  	_ =	shalt  }
0x47: {  	_ =	shalt  }
0x48: {  	_ =	shalt  }
0x49: {  	_ =	shalt  }
0x4a: {  	_ =	shalt  }
0x4b: {  	_ =	shalt  }
0x4c: {  	_ =	shalt  }
0x4d: {  	_ =	shalt  }
0x4e: {  	_ =	shalt  }
0x4f: {  	_ =	shalt  }
0x50: {  	_ =	shalt  }
0x51: {  	_ =	shalt  }
0x52: {  	_ =	shalt  }
0x53: {  	_ =	shalt  }
0x54: {  	_ =	shalt  }
0x55: {  	_ =	shalt  }
0x56: {  	_ =	shalt  }
0x57: {  	_ =	shalt  }
0x58: {  	_ =	shalt  }
0x59: {  	_ =	shalt  }
0x5a: {  	_ =	shalt  }
0x5b: {  	_ =	shalt  }
0x5c: {  	_ =	shalt  }
0x5d: {  	_ =	shalt  }
0x5e: {  	_ =	shalt  }
0x5f: {  	_ =	shalt  }
0x60: {  	_ =	shalt  }
0x61: {  	_ =	shalt  }
0x62: {  	_ =	shalt  }
0x63: {  	_ =	shalt  }
0x64: {  	_ =	shalt  }
0x65: {  	_ =	shalt  }
0x66: {  	_ =	shalt  }
0x67: {  	_ =	shalt  }
0x68: {  	_ =	shalt  }
0x69: {  	_ =	shalt  }
0x6a: {  	_ =	shalt  }
0x6b: {  	_ =	shalt  }
0x6c: {  	_ =	shalt  }
0x6d: {  	_ =	shalt  }
0x6e: {  	_ =	shalt  }
0x6f: {  	_ =	shalt  }
0x70: {  	_ =	shalt  }
0x71: {  	_ =	shalt  }
0x72: {  	_ =	shalt  }
0x73: {  	_ =	shalt  }
0x74: {  	_ =	shalt  }
0x75: {  	_ =	shalt  }
0x76: {  	_ =	shalt  }
0x77: {  	_ =	shalt  }
0x78: {  	_ =	shalt  }
0x79: {  	_ =	shalt  }
0x7a: {  	_ =	shalt  }
0x7b: {  	_ =	shalt  }
0x7c: {  	_ =	shalt  }
0x7d: {  	_ =	shalt  }
0x7e: {  	_ =	shalt  }
0x7f: {  	_ =	shalt  }
0x80: {  	_ =	shalt  }
0x81: {  	_ =	shalt  }
0x82: {  	_ =	shalt  }
0x83: {  	_ =	shalt  }
0x84: {  	_ =	shalt  }
0x85: {  	_ =	shalt  }
0x86: {  	_ =	shalt  }
0x87: {  	_ =	shalt  }
.Lfunc_end0:
.L_simem_size_0:
called_computation_lowered:
.L_overlay_start_0:
0x88: {  	s2 =	sld [smem:$0x3FD9]  }
0x89: {  	s3 =	sld [smem:$0x3FFE];
	_ =	sdelay $0x1  }
0x8a: {  	s1 =	srdreg.scid  }
0x8b: {  	s0 =	sand.u32 $0x1, s1  }
0x8c: {  	s17 =	sshll.u32 s0, $0xA;
	s2 =	sadd.s32 s3, s2  }
0x8d: {  	s2 =	sadd.s32 s2, s17  }
0x8e: {  	[smem:$0x3FC1] =	sst s2  }
0x8f: {  	_ = 	snop  }
0x90: {  	s2 =	sld [smem:$0x3FD0];
	(tm) =	ssettm $0x1  }
0x91: {  	s18 =	sld [smem:$0x3FFB];
	_ =	sdelay $0x3  }
0x92: {  	_ =	strace s18  }
0x93: {  	s3 =	sld [smem:$0x3FFC];
	_ =	sdelay $0x3  }
0x94: {  	_ =	strace s3  }
0x95: {  	s3 =	sld [smem:$0x3FFD];
	_ =	sdelay $0x3  }
0x96: {  	_ =	strace s3  }
0x97: {  	_ =	strace $0x8FFFFFFF  }
0x98: {  	s19 =	sld [smem:$0x3FDB];
	_ =	sdelay $0x1  }
0x99: {  	s4 =	simm.s32 $_scs_section_size  }
0x9a: {  	s5 =	simm.s32 $_size__tile_overlayer_lowered;
	s6 =	simm.s32 $_tile_overlayer_lowered  }
0x9b: {  	s22 =	simm.s32 $0x1BFF;
	s21 =	sshll.u32 s6, $0x1;
	s3 =	sadd.s32 s4, s19  }
0x9c: {  	s7 =	simm.s32 $0x0;
	s20 =	sshll.u32 s5, $0x1;
	s5 =	sadd.s32 s21, s3  }
0x9d: {  	[timem:s7], [sflag:s22] =	dma.local [hbm:s5], s20  }
0x9e: {  	_ =	swait.ge [sflag:s22], s20  }
0x9f: {  	s4 =	ssub.s32 $0x0, s20;
	[sflag:s22] =	ssyncset.done $0x0  }
0xa0: {  	[sflag:s22] =	ssyncadd.s32 s4;
	_ =	sdelay $0x1  }
0xa1: {  	s23 =	simm.s32 $0x1B8B  }
0xa2: {  	_ =	swait.ge [sflag:s23], $0x1  }
0xa3: {  	[sflag:s23] =	ssyncset.done $0x0  }
0xa4: {  	s25 =	simm.s32 $0x1B8E;
	s24 =	sld [smem:$0x3FFE];
	[sflag:s23] =	ssyncadd.s32 $0xFFFFFFFF  }
0xa5: {  	s26 =	simm.s32 $execute0_lowered;
	[smem:$0x3FD2] =	sst s25  }
0xa6: {  	s5 =	sshll.u32 s26, $0x1;
	_ =	strace $0x80000046;
	[dreg:$0x1] =	wrdreg $0xFFFFFFFF  }
0xa7: {  	s28 =	simm.s32 $_size_execute0_lowered;
	s3 =	sadd.s32 s3, s5;
	[dreg:$0x0] =	wrdreg $0x0  }
0xa8: {  	s5 =	sshll.u32 s28, $0x1;
	[dreg:$0x2] =	wrdreg s3  }
0xa9: {  	[dreg:$0x3] =	wrdreg s5  }
0xaa: {  	[dreg:$0x4] =	wrdreg $0xC0  }
0xab: {  	_ =	task [dreg:s7], $0x5FFFF  }
0xac: {  	[dreg:$0x1] =	wrdreg $0xFFFFFFFF  }
0xad: {  	[dreg:$0x0] =	wrdreg $0x60  }
0xae: {  	[dreg:$0x2] =	wrdreg s24  }
0xaf: {  	[dreg:$0x3] =	wrdreg s2  }
0xb0: {  	[dreg:$0x4] =	wrdreg $0x0  }
0xb1: {  	[dreg:$0x5] =	wrdreg $0x9  }
0xb2: {  	_ =	task.clear_ibuf [dreg:s7], $0x6FFFF;
	_ =	strace $0x90000046  }
0xb3: {  	s29 =	simm.s32 $0x9;
	_ =	strace $0x80000048  }
0xb4: {  	_ =	swait.ge [sflag:s29], $0x1  }
0xb5: {  	[sflag:s29] =	ssyncadd.s32 $0xFFFFFFFF  }
0xb6: {  	_ =	strace $0x90000048  }
0xb7: {  	_ =	sfence  }
0xb8: {  	s30 =	sld [smem:$0x0];
	_ =	sdelay $0x2  }
0xb9: {  	s31 =	sshll.u32 s1, $0xD;
	s1 =	sshrl.u32 s1, $0x2  }
0xba: {  	s3 =	sand.u32 $0x4000, s31;
	s1 =	sadd.s32 s1, s30  }
0xbb: {  	s0 =	sor.u32 s3, s0;
	s1 =	sshll.u32 s1, $0x11  }
0xbc: {  	s0 =	sor.u32 s1, s0  }
0xbd: {  	s0 =	sadd.s32 $0x8F2B, s0  }
0xbe: {  	[sflag:s0] =	ssyncadd.remote.s32 $0x1  }
0xbf: {  	_ =	sfence.sel $0xFFFF  }
0xc0: {  	[dreg:$0x0] =	wrdreg $0xFFFFFFFF;
	(pc) =	sbr.abs _section_cstart, $3  }
0xc1: {  	[dreg:$0x1] =	wrdreg $0xFFFFFFFF  }
0xc2: {  	_ =	task.clear_ibuf [dreg:s7], $0x2FFFF;
	_ =	strace $0x9FFFFFFF  }
0xc3: {  	(tm) =	ssettm $0x7FFFFFFF  }
tec
execute0_lowered:
.L_overlay_start_1:
0x0: {  	(tag) =	ssettag $0x1  }
0x1: {  	s2 =	rddreg [dreg:$0x0]  }
0x2: {  	s0 =	srdreg.scid;
	s3 =	rddreg [dreg:$0x1]  }
0x3: {  	s1 =	simm.s32 $0x0;
	s4 =	sand.u32 $0x1, s0;
	s0 =	stileid.u32  }
0x4: {  	[smem:$0x7FF] =	sst s1;
	s7 =	sadd.s32 $0x10000, s3;
	s5 =	ssub.s32 $0x2, s4  }
0x5: {  	s6 =	sshll.u32 s0, $0x11;
	p2 =	seq.s32 s0, $0x0;
	p0 =	seq.s32 s4, $0x1  }
0x6: {  	p4 =	sgt.u32 s0, $0x1;
	p5 =	sgt.u32 s0, $0xA;
	p6 =	sne.s32 s0, $0xB  }
0x7: {  	s23 =	sshrl.u32 s5, $0x1;
	s8 =	sadd.s32 $0x1300000, s6;
	s1 =	sadd.s32 s3, s6  }
0x8: {  	s9 =	sadd.s32 s6, s7;
	s25 =	sadd.s32 $0x1500000, s6;
	s26 =	sadd.s32 $0x1700000, s6  }
0x9: {  	s12 =	sadd.s32 $0x1900000, s6;
	s13 =	sadd.s32 $0x1B00000, s6;
	s17 =	sadd.s32 $0x1D00000, s6  }
0xa: {  	s18 =	sadd.s32 $0x1F00000, s6;
	s22 =	sadd.s32 $0x2100000, s6;
	s6 =	sadd.s32 $0x2300000, s6  }
0xb: {  	p3 =	por !p2, !p0;
	[dreg:$0x4] =	wrdreg s9;
	s24 =	sadd.s32 s3, s8  }
0xc: {  	p2 =	sne.s32 s4, $0x0;
	s8 =	sadd.s32 s8, s7;
	[dreg:$0x5] =	wrdreg s24  }
0xd: {  	s5 =	ssub.s32 s5, s23;
	s10 =	sadd.s32 s3, s25;
	[dreg:$0x6] =	wrdreg s8  }
0xe: {  	s11 =	sadd.s32 s26, s7;
	s14 =	sadd.s32 s3, s12;
	[dreg:$0x7] =	wrdreg s10  }
0xf: {  	s15 =	sadd.s32 s3, s13;
	s16 =	sadd.s32 s13, s7;
	[dreg:$0xa] =	wrdreg s11  }
0x10: {  	s19 =	sadd.s32 s3, s17;
	s20 =	sadd.s32 s3, s18;
	[dreg:$0xb] =	wrdreg s14  }
0x11: {  	s21 =	sadd.s32 s18, s7;
	s23 =	sshll.u32 s0, $0x13;
	[dreg:$0xd] =	wrdreg s15  }
0x12: {  	p3 =	por !p3, !p3;
	s29 =	sadd.s32 $0x200000, s1;
	[dreg:$0xe] =	wrdreg s16  }
0x13: {  	s30 =	sadd.s32 $0x210000, s1;
	s31 =	sadd.s32 $0x400000, s1;
	[dreg:$0xf] =	wrdreg s19  }
0x14: {  	s8 =	sadd.s32 s25, s7;
	s10 =	sadd.s32 s3, s26;
	[dreg:$0x11] =	wrdreg s20  }
0x15: {  	[dreg:$0x12] =	wrdreg s21;
	s24 =	sadd.s32 s3, s22;
	s9 =	sadd.s32 $0x9200000, s23  }
0x16: {  	s23 =	rddreg [dreg:$0x2];
	s26 =	sor.u32 s4, s0;
	s19 =	sadd.s32 $0x600000, s1  }
0x17: {  	s20 =	sadd.s32 $0x610000, s1;
	s21 =	sadd.s32 $0x800000, s1;
	[dreg:$0x8] =	wrdreg s8  }
0x18: {  	s4 =	sadd.s32 $0xA10000, s1;
	s11 =	sadd.s32 $0x1200000, s1;
	[dreg:$0x9] =	wrdreg s10  }
0x19: {  	s14 =	simm.s32 $0x1;
	s8 =	sadd.s32 s12, s7;
	[dreg:$0x13] =	wrdreg s24  }
0x1a: {  	s25 =	sshrl.u32 s9, $0x3;
	p1 =	sne.s32 s26, $0x0;
	s24 =	sadd.s32 $0x1400, s2  }
0x1b: {  	s26 =	smax.u32 s5, $0x1;
	s28 =	sadd.s32 $0x80000, s23;
	s5 =	sadd.s32 $0xC00000, s1  }
0x1c: {  	s9 =	sadd.s32 $0x1000000, s1;
	s10 =	sadd.s32 $0x1010000, s1;
	s12 =	sadd.s32 $0x1210000, s1  }
0x1d: {  	s13 =	sadd.s32 $0x100000, s23;
	[dreg:$0xc] =	wrdreg s8;
	s8 =	sadd.s32 s17, s7  }
0x1e: {  	[dreg:$0x10] =	wrdreg s8;
	s8 =	sadd.s32 s22, s7;
	s7 =	sadd.s32 s6, s7  }
0x1f: {  	s6 =	sadd.s32 s3, s6;
	s3 =	sadd.s32 s3, s25;
	[dreg:$0x14] =	wrdreg s8  }
.Ltmp0:
0x20: {  	s25 =	sadd.s32 $0x21400, s2;
	[dreg:$0x15] =	wrdreg s7;
	(pc) =	sbr.rel .LBB2_1-.Ltmp0, $4  }
0x21: {  	s2 =	simm.s32 @!p6 $0x0;
	s22 =	sadd.s32 $0x410000, s1;
	[dreg:$0x16] =	wrdreg s6  }
0x22: {  	[dreg:$0x17] =	wrdreg s3;
	s2 =	simm.s32 @p6 $0x1;
	s3 =	sadd.s32 $0xA00000, s1  }
0x23: {  	s6 =	sadd.s32 $0xC10000, s1;
	s7 =	sadd.s32 $0xE00000, s1;
	s8 =	sadd.s32 $0xE10000, s1  }
0x24: {  	_ =	strace $0x80000047;
	[smem:$0x7FD] =	sst s2;
	s2 =	sadd.s32 $0x810000, s1  }
.LBB2_5:
0x25: {  	s18 =	rddreg [dreg:$0x16]  }
0x26: {  	[hbm:s18], [sflag:s15] =	dma.local [spmem:s16], $0x10000  }
0x27: {  	_ =	swait.ge [sflag:s14], $0x10000  }
0x28: {  	[sflag:s14] =	ssyncset.done $0x0  }
0x29: {  	s18 =	rddreg [dreg:$0x15];
	[sflag:s14] =	ssyncadd.s32 $0xFFFF0000  }
0x2a: {  	[hbm:s18], [sflag:s15] =	dma.local [spmem:s17], $0x10000  }
0x2b: {  	_ =	swait.ge [sflag:s14], $0x10000  }
0x2c: {  	[sflag:s14] =	ssyncset.done $0x0  }
0x2d: {  	[sflag:s14] =	ssyncadd.s32 $0xFFFF0000  }
.LBB2_7:
0x2e: {  	s16 =	sshrl.u32 s23, $0x3;
	s17 =	rddreg [dreg:$0x17]  }
0x2f: {  	[hbm:s17], [sflag:s15] =	dma.local [spmem:s16], $0x10000  }
0x30: {  	_ =	swait.ge [sflag:s14], $0x10000  }
0x31: {  	[sflag:s14] =	ssyncset.done $0x0  }
0x32: {  	[sflag:s14] =	ssyncadd.s32 $0xFFFF0000  }
.LBB2_8:
0x33: {  	s26 =	sadd.s32 $0xFFFFFFFF, s26  }
0x34: {  	p6 =	sne.s32 s26, $0x0  }
.Ltmp1:
0x35: {  	_ = 	snop;
	(pc) =	sbr.rel @!p6 .LBB2_9-.Ltmp1, $1  }
0x36: {  	_ =	sdelay $0x3  }
.LBB2_1:
0x37: {  	s15 =	sshll.u32 @!p1 s0, $0x6  }
0x38: {  	s16 =	sshrl.u32 @!p1 s23, $0x3;
	s15 =	sor.u32 @!p1 $0x1C01, s15  }
0x39: {  	[spmem:s16], [sflag:s15] =	dma.local @!p1 [hbm:s24], $0x20000  }
0x3a: {  	s15 =	simm.s32 @!p1 $0x1  }
0x3b: {  	_ =	swait.ge @!p1 [sflag:s15], $0x20000  }
0x3c: {  	[sflag:s15] =	ssyncset.done @!p1 $0x0  }
0x3d: {  	s16 =	simm.s32 @p3 $0x1C01;
	[sflag:s15] =	ssyncadd.s32 @!p1 $0xFFFE0000;
	s15 =	sshrl.u32 @p3 s23, $0x3  }
0x3e: {  	[spmem:s15], [sflag:s16] =	dma.local @p3 [hbm:s24], $0x10000  }
0x3f: {  	s15 =	simm.s32 @p3 $0x1  }
0x40: {  	_ =	swait.ge @p3 [sflag:s15], $0x10000  }
0x41: {  	[sflag:s15] =	ssyncset.done @p3 $0x0  }
0x42: {  	s17 =	sshrl.u32 @p3 s28, $0x3;
	[sflag:s15] =	ssyncadd.s32 @p3 $0xFFFF0000  }
0x43: {  	[spmem:s17], [sflag:s16] =	dma.local @p3 [hbm:s25], $0x20000  }
.Ltmp2:
0x44: {  	_ =	swait.ge @p3 [sflag:s15], $0x20000;
	(pc) =	sbr.rel @p2 .LBB2_3-.Ltmp2, $4  }
0x45: {  	[sflag:s15] =	ssyncset.done @p3 $0x0  }
0x46: {  	[sflag:s15] =	ssyncadd.s32 @p3 $0xFFFE0000  }
0x47: {  	s18 =	sshll.u32 s0, $0x6;
	[bflag:$0x0] =	sbarrier.arrive $0xFFFF  }
0x48: {  	s15 =	sor.u32 $0x1C01, s18  }
0x49: {  	s16 =	sshrl.u32 s23, $0x3  }
0x4a: {  	[hbm:s1], [sflag:s15] =	dma.local [spmem:s16], $0x10000  }
0x4b: {  	_ =	swait.ge [sflag:s14], $0x10000  }
0x4c: {  	[sflag:s14] =	ssyncset.done $0x0  }
0x4d: {  	s17 =	sshrl.u32 s28, $0x3;
	s18 =	rddreg [dreg:$0x4];
	[sflag:s14] =	ssyncadd.s32 $0xFFFF0000  }
0x4e: {  	[hbm:s18], [sflag:s15] =	dma.local [spmem:s17], $0x10000  }
0x4f: {  	_ =	swait.ge [sflag:s14], $0x10000  }
0x50: {  	[sflag:s14] =	ssyncset.done $0x0  }
0x51: {  	[sflag:s14] =	ssyncadd.s32 $0xFFFF0000  }
0x52: {  	[hbm:s29], [sflag:s15] =	dma.local [spmem:s16], $0x10000  }
0x53: {  	_ =	swait.ge [sflag:s14], $0x10000  }
0x54: {  	[sflag:s14] =	ssyncset.done $0x0  }
0x55: {  	[sflag:s14] =	ssyncadd.s32 $0xFFFF0000  }
0x56: {  	[hbm:s30], [sflag:s15] =	dma.local [spmem:s17], $0x10000  }
0x57: {  	_ =	swait.ge [sflag:s14], $0x10000  }
0x58: {  	[sflag:s14] =	ssyncset.done $0x0  }
0x59: {  	[sflag:s14] =	ssyncadd.s32 $0xFFFF0000  }
0x5a: {  	[hbm:s31], [sflag:s15] =	dma.local [spmem:s16], $0x10000  }
0x5b: {  	_ =	swait.ge [sflag:s14], $0x10000  }
0x5c: {  	[sflag:s14] =	ssyncset.done $0x0  }
0x5d: {  	[sflag:s14] =	ssyncadd.s32 $0xFFFF0000  }
0x5e: {  	[hbm:s22], [sflag:s15] =	dma.local [spmem:s17], $0x10000  }
0x5f: {  	_ =	swait.ge [sflag:s14], $0x10000  }
0x60: {  	[sflag:s14] =	ssyncset.done $0x0  }
0x61: {  	[sflag:s14] =	ssyncadd.s32 $0xFFFF0000  }
0x62: {  	[hbm:s19], [sflag:s15] =	dma.local [spmem:s16], $0x10000  }
0x63: {  	_ =	swait.ge [sflag:s14], $0x10000  }
0x64: {  	[sflag:s14] =	ssyncset.done $0x0  }
0x65: {  	[sflag:s14] =	ssyncadd.s32 $0xFFFF0000  }
0x66: {  	[hbm:s20], [sflag:s15] =	dma.local [spmem:s17], $0x10000  }
0x67: {  	_ =	swait.ge [sflag:s14], $0x10000  }
0x68: {  	[sflag:s14] =	ssyncset.done $0x0  }
0x69: {  	[sflag:s14] =	ssyncadd.s32 $0xFFFF0000  }
0x6a: {  	[hbm:s21], [sflag:s15] =	dma.local [spmem:s16], $0x10000  }
0x6b: {  	_ =	swait.ge [sflag:s14], $0x10000  }
0x6c: {  	[sflag:s14] =	ssyncset.done $0x0  }
0x6d: {  	[sflag:s14] =	ssyncadd.s32 $0xFFFF0000  }
0x6e: {  	[hbm:s2], [sflag:s15] =	dma.local [spmem:s17], $0x10000  }
0x6f: {  	_ =	swait.ge [sflag:s14], $0x10000  }
0x70: {  	[sflag:s14] =	ssyncset.done $0x0  }
0x71: {  	[sflag:s14] =	ssyncadd.s32 $0xFFFF0000  }
0x72: {  	[hbm:s3], [sflag:s15] =	dma.local [spmem:s16], $0x10000  }
0x73: {  	_ =	swait.ge [sflag:s14], $0x10000  }
0x74: {  	[sflag:s14] =	ssyncset.done $0x0  }
0x75: {  	[sflag:s14] =	ssyncadd.s32 $0xFFFF0000  }
0x76: {  	[hbm:s4], [sflag:s15] =	dma.local [spmem:s17], $0x10000  }
0x77: {  	_ =	swait.ge [sflag:s14], $0x10000  }
0x78: {  	[sflag:s14] =	ssyncset.done $0x0  }
0x79: {  	[sflag:s14] =	ssyncadd.s32 $0xFFFF0000  }
0x7a: {  	[hbm:s5], [sflag:s15] =	dma.local [spmem:s16], $0x10000  }
0x7b: {  	_ =	swait.ge [sflag:s14], $0x10000  }
0x7c: {  	[sflag:s14] =	ssyncset.done $0x0  }
0x7d: {  	[sflag:s14] =	ssyncadd.s32 $0xFFFF0000  }
0x7e: {  	[hbm:s6], [sflag:s15] =	dma.local [spmem:s17], $0x10000  }
0x7f: {  	_ =	swait.ge [sflag:s14], $0x10000  }
0x80: {  	[sflag:s14] =	ssyncset.done $0x0  }
0x81: {  	[sflag:s14] =	ssyncadd.s32 $0xFFFF0000  }
0x82: {  	[hbm:s7], [sflag:s15] =	dma.local [spmem:s16], $0x10000  }
0x83: {  	_ =	swait.ge [sflag:s14], $0x10000  }
0x84: {  	[sflag:s14] =	ssyncset.done $0x0  }
0x85: {  	[sflag:s14] =	ssyncadd.s32 $0xFFFF0000  }
0x86: {  	[hbm:s8], [sflag:s15] =	dma.local [spmem:s17], $0x10000  }
0x87: {  	_ =	swait.ge [sflag:s14], $0x10000  }
0x88: {  	[sflag:s14] =	ssyncset.done $0x0  }
0x89: {  	[sflag:s14] =	ssyncadd.s32 $0xFFFF0000  }
0x8a: {  	[hbm:s9], [sflag:s15] =	dma.local [spmem:s16], $0x10000  }
0x8b: {  	_ =	swait.ge [sflag:s14], $0x10000  }
0x8c: {  	[sflag:s14] =	ssyncset.done $0x0  }
0x8d: {  	[sflag:s14] =	ssyncadd.s32 $0xFFFF0000  }
0x8e: {  	[hbm:s10], [sflag:s15] =	dma.local [spmem:s17], $0x10000  }
0x8f: {  	_ =	swait.ge [sflag:s14], $0x10000  }
0x90: {  	[sflag:s14] =	ssyncset.done $0x0  }
0x91: {  	s16 =	sshrl.u32 @!p4 s23, $0x3;
	[sflag:s14] =	ssyncadd.s32 $0xFFFF0000  }
0x92: {  	[hbm:s11], [sflag:s15] =	dma.local @!p4 [spmem:s16], $0x10000  }
0x93: {  	s16 =	simm.s32 @!p4 $0x1  }
0x94: {  	_ =	swait.ge @!p4 [sflag:s16], $0x10000  }
0x95: {  	[sflag:s16] =	ssyncset.done @!p4 $0x0  }
0x96: {  	s17 =	sshrl.u32 @!p4 s28, $0x3;
	[sflag:s16] =	ssyncadd.s32 @!p4 $0xFFFF0000  }
0x97: {  	[hbm:s12], [sflag:s15] =	dma.local @!p4 [spmem:s17], $0x10000  }
0x98: {  	_ =	swait.ge @!p4 [sflag:s16], $0x10000  }
0x99: {  	[sflag:s16] =	ssyncset.done @!p4 $0x0  }
0x9a: {  	[sflag:s16] =	ssyncadd.s32 @!p4 $0xFFFF0000  }
.LBB2_3:
.Ltmp3:
0x9b: {  	(pc) =	sbr.rel @!p0 .LBB2_8-.Ltmp3, $1  }
0x9c: {  	_ =	sdelay $0x3  }
0x9d: {  	s16 =	sshrl.u32 s28, $0x3;
	s17 =	rddreg [dreg:$0x5]  }
0x9e: {  	[hbm:s17], [sflag:s15] =	dma.local [spmem:s16], $0x10000  }
0x9f: {  	_ =	swait.ge [sflag:s14], $0x10000  }
0xa0: {  	[sflag:s14] =	ssyncset.done $0x0  }
0xa1: {  	s17 =	sshrl.u32 s13, $0x3;
	s18 =	rddreg [dreg:$0x6];
	[sflag:s14] =	ssyncadd.s32 $0xFFFF0000  }
0xa2: {  	[hbm:s18], [sflag:s15] =	dma.local [spmem:s17], $0x10000  }
0xa3: {  	_ =	swait.ge [sflag:s14], $0x10000  }
0xa4: {  	[sflag:s14] =	ssyncset.done $0x0  }
0xa5: {  	s18 =	rddreg [dreg:$0x7];
	[sflag:s14] =	ssyncadd.s32 $0xFFFF0000  }
0xa6: {  	[hbm:s18], [sflag:s15] =	dma.local [spmem:s16], $0x10000  }
0xa7: {  	_ =	swait.ge [sflag:s14], $0x10000  }
0xa8: {  	[sflag:s14] =	ssyncset.done $0x0  }
0xa9: {  	s18 =	rddreg [dreg:$0x8];
	[sflag:s14] =	ssyncadd.s32 $0xFFFF0000  }
0xaa: {  	[hbm:s18], [sflag:s15] =	dma.local [spmem:s17], $0x10000  }
0xab: {  	_ =	swait.ge [sflag:s14], $0x10000  }
0xac: {  	[sflag:s14] =	ssyncset.done $0x0  }
0xad: {  	s18 =	rddreg [dreg:$0x9];
	[sflag:s14] =	ssyncadd.s32 $0xFFFF0000  }
0xae: {  	[hbm:s18], [sflag:s15] =	dma.local [spmem:s16], $0x10000  }
0xaf: {  	_ =	swait.ge [sflag:s14], $0x10000  }
0xb0: {  	[sflag:s14] =	ssyncset.done $0x0  }
0xb1: {  	s18 =	rddreg [dreg:$0xa];
	[sflag:s14] =	ssyncadd.s32 $0xFFFF0000  }
0xb2: {  	[hbm:s18], [sflag:s15] =	dma.local [spmem:s17], $0x10000  }
0xb3: {  	_ =	swait.ge [sflag:s14], $0x10000  }
0xb4: {  	[sflag:s14] =	ssyncset.done $0x0  }
0xb5: {  	s18 =	rddreg [dreg:$0xb];
	[sflag:s14] =	ssyncadd.s32 $0xFFFF0000  }
0xb6: {  	[hbm:s18], [sflag:s15] =	dma.local [spmem:s16], $0x10000  }
0xb7: {  	_ =	swait.ge [sflag:s14], $0x10000  }
0xb8: {  	[sflag:s14] =	ssyncset.done $0x0  }
0xb9: {  	s18 =	rddreg [dreg:$0xc];
	[sflag:s14] =	ssyncadd.s32 $0xFFFF0000  }
0xba: {  	[hbm:s18], [sflag:s15] =	dma.local [spmem:s17], $0x10000  }
0xbb: {  	_ =	swait.ge [sflag:s14], $0x10000  }
0xbc: {  	[sflag:s14] =	ssyncset.done $0x0  }
0xbd: {  	s18 =	rddreg [dreg:$0xd];
	[sflag:s14] =	ssyncadd.s32 $0xFFFF0000  }
0xbe: {  	[hbm:s18], [sflag:s15] =	dma.local [spmem:s16], $0x10000  }
0xbf: {  	_ =	swait.ge [sflag:s14], $0x10000  }
0xc0: {  	[sflag:s14] =	ssyncset.done $0x0  }
0xc1: {  	s18 =	rddreg [dreg:$0xe];
	[sflag:s14] =	ssyncadd.s32 $0xFFFF0000  }
0xc2: {  	[hbm:s18], [sflag:s15] =	dma.local [spmem:s17], $0x10000  }
0xc3: {  	_ =	swait.ge [sflag:s14], $0x10000  }
0xc4: {  	[sflag:s14] =	ssyncset.done $0x0  }
0xc5: {  	s18 =	rddreg [dreg:$0xf];
	[sflag:s14] =	ssyncadd.s32 $0xFFFF0000  }
0xc6: {  	[hbm:s18], [sflag:s15] =	dma.local [spmem:s16], $0x10000  }
0xc7: {  	_ =	swait.ge [sflag:s14], $0x10000  }
0xc8: {  	[sflag:s14] =	ssyncset.done $0x0  }
0xc9: {  	s18 =	rddreg [dreg:$0x10];
	[sflag:s14] =	ssyncadd.s32 $0xFFFF0000  }
0xca: {  	[hbm:s18], [sflag:s15] =	dma.local [spmem:s17], $0x10000  }
0xcb: {  	_ =	swait.ge [sflag:s14], $0x10000  }
0xcc: {  	[sflag:s14] =	ssyncset.done $0x0  }
0xcd: {  	s18 =	rddreg [dreg:$0x11];
	[sflag:s14] =	ssyncadd.s32 $0xFFFF0000  }
0xce: {  	[hbm:s18], [sflag:s15] =	dma.local [spmem:s16], $0x10000  }
0xcf: {  	_ =	swait.ge [sflag:s14], $0x10000  }
0xd0: {  	[sflag:s14] =	ssyncset.done $0x0  }
0xd1: {  	s18 =	rddreg [dreg:$0x12];
	[sflag:s14] =	ssyncadd.s32 $0xFFFF0000  }
0xd2: {  	[hbm:s18], [sflag:s15] =	dma.local [spmem:s17], $0x10000  }
0xd3: {  	_ =	swait.ge [sflag:s14], $0x10000  }
0xd4: {  	[sflag:s14] =	ssyncset.done $0x0  }
0xd5: {  	s18 =	rddreg [dreg:$0x13];
	[sflag:s14] =	ssyncadd.s32 $0xFFFF0000  }
0xd6: {  	[hbm:s18], [sflag:s15] =	dma.local [spmem:s16], $0x10000  }
0xd7: {  	_ =	swait.ge [sflag:s14], $0x10000  }
0xd8: {  	[sflag:s14] =	ssyncset.done $0x0  }
.Ltmp4:
0xd9: {  	s18 =	rddreg [dreg:$0x14];
	[sflag:s14] =	ssyncadd.s32 $0xFFFF0000;
	(pc) =	sbr.rel @!p5 .LBB2_5-.Ltmp4, $4  }
0xda: {  	[hbm:s18], [sflag:s15] =	dma.local [spmem:s17], $0x10000  }
0xdb: {  	_ =	swait.ge [sflag:s14], $0x10000  }
0xdc: {  	[sflag:s14] =	ssyncset.done $0x0  }
0xdd: {  	[sflag:s14] =	ssyncadd.s32 $0xFFFF0000  }
0xde: {  	s16 =	sld [smem:$0x7FD];
	_ =	sdelay $0x2  }
0xdf: {  	p6 =	seq.s32 s16, $0x1  }
.Ltmp5:
0xe0: {  	_ = 	snop;
	(pc) =	sbr.rel @p6 .LBB2_8-.Ltmp5, $4  }
.Ltmp6:
0xe1: {  	_ = 	snop;
	(pc) =	sbr.rel @!p6 .LBB2_7-.Ltmp6, $4  }
0xe2: {  	_ = 	snop  }
0xe3: {  	_ = 	snop  }
0xe4: {  	_ = 	snop  }
0xe5: {  	_ = 	snop  }
.LBB2_9:
0xe6: {  	_ =	sfence.sel $0x180000  }
0xe7: {  	[bflag:$0x0] =	sbarrier.arrive $0xFFFF  }
0xe8: {  	_ =	strace $0x90000047  }
0xe9: {  	[bflag:$0x2] =	sbarrier.arrive $0xFFFF  }
0xea: {  	p0 =	sne.s32 s0, $0x0;
	s0 =	rddreg [dreg:$0x3]  }
0xeb: {  	s0 =	sadd.s32 @!p0 $0x100000, s0  }
0xec: {  	[sflag:s0] =	ssyncadd.tile.s32 @!p0 $0x1;
	_ =	shalt  }
.Lfunc_end2:
_tile_overlayer_lowered:
.L_overlay_start_2:
0xed: {  	(tag) =	ssettag $0x2  }
0xee: {  	s0 =	rddreg [dreg:$0x0];
	s2 =	stileid.u32  }
0xef: {  	s1 =	rddreg [dreg:$0x1];
	p0 =	sne.s32 s2, $0x0  }
0xf0: {  	s3 =	rddreg [dreg:$0x2];
	[bflag:$0x3] =	sbarrier.arrive $0xFFFF;
	s2 =	simm.s32 @!p0 $0x1C01  }
0xf1: {  	[timem:s3], [sflag:s2] =	dma.local @!p0 [hbm:s0], s1  }
0xf2: {  	s0 =	simm.s32 @!p0 $0x1  }
0xf3: {  	_ =	swait.ge @!p0 [sflag:s0], s1  }
0xf4: {  	s1 =	ssub.s32 @!p0 $0x0, s1;
	[sflag:s0] =	ssyncset.done @!p0 $0x0  }
0xf5: {  	[sflag:s0] =	ssyncadd.s32 @!p0 s1  }
0xf6: {  	[bflag:$0x3] =	sbarrier.arrive $0xFFFF  }
0xf7: {  	_ =	shalt  }

</sc_bundles>
